<compile_context>
chip_gen: v7x
topology: tpu7x:2x2x1
jax: 0.10.2.dev20260603
libtpu: 0.0.44.dev20260713+nightly
codegen_flags: <defaults>
</compile_context>

<pallas_src>
import functools

import jax
import jax.numpy as jnp
from jax import lax
from jax.experimental import pallas as pl
from jax.experimental.pallas import tpu as pltpu
from jax.experimental.pallas import tpu_sc as plsc

B, N, D = 16, 4096, 256
NC, NS, L = 2, 16, 16
NJ = D // L
BS = 8
BPC = BS // NC
WPB = NS // BPC
RW = N // WPB
CH = 128
NCHUNK = RW // CH
RSTEP = 8

_mesh = plsc.VectorSubcoreMesh(core_axis_name="c", subcore_axis_name="s")


def _tree(op, xs):
    while len(xs) > 1:
        xs = [op(xs[i], xs[i + 1]) for i in range(0, len(xs) - 1, 2)] + (
            [xs[-1]] if len(xs) % 2 else [])
    return xs[0]


def _sqrt_sc(v):
    s = jnp.full((L,), 1.0, jnp.float32)
    for t in range(1, 17):
        s = jnp.where(v >= jnp.float32(4.0 ** t), s * 2.0, s)
        s = jnp.where(v < jnp.float32(4.0 ** (1 - t)), s * 0.5, s)
    for _ in range(4):
        s = jnp.float32(0.5) * (s + v / s)
    return jnp.where(v > 0.0, s, 0.0)


@functools.partial(
    pl.kernel,
    mesh=_mesh,
    out_type=jax.ShapeDtypeStruct((BS, 4, D), jnp.float32),
    scratch_types=[
        pltpu.VMEM((CH, D), jnp.float32),
        pltpu.VMEM((CH, D), jnp.float32),
        pltpu.VMEM((4, D), jnp.float32),
        pltpu.VMEM((4, D), jnp.float32),
        pltpu.VMEM_SHARED((NS, 4, D), jnp.float32),
        pltpu.SemaphoreType.DMA,
        pltpu.SemaphoreType.DMA,
    ],
)
def _pool_sc(x_hbm, out_hbm, buf0, buf1, acc, pacc, shared, sem0, sem1):
    c = lax.axis_index("c")
    s = lax.axis_index("s")
    b = c * BPC + s // WPB
    rank = s % WPB
    r0 = rank * RW

    def ibody(j, carry):
        sl = pl.ds(j * L, L)
        acc[0, sl] = jnp.full((L,), -jnp.inf, jnp.float32)
        acc[1, sl] = jnp.full((L,), jnp.inf, jnp.float32)
        acc[2, sl] = jnp.zeros((L,), jnp.float32)
        acc[3, sl] = jnp.zeros((L,), jnp.float32)
        return carry

    lax.fori_loop(0, NJ, ibody, 0)

    def copy(k, buf, sem):
        return pltpu.make_async_copy(
            x_hbm.at[b, pl.ds(r0 + k * CH, CH), :], buf, sem)

    copy(0, buf0, sem0).start()
    copy(1, buf1, sem1).start()

    def process(buf):
        def jbody(j, carry):
            sl = pl.ds(j * L, L)

            @plsc.parallel_loop(
                0, CH, step=RSTEP,
                carry=(acc[0, sl], acc[1, sl], acc[2, sl], acc[3, sl]))
            def rbody(r, t):
                mx, mn, sm, ss = t
                v = [buf[r + u, sl] for u in range(RSTEP)]
                mx = jnp.maximum(mx, _tree(jnp.maximum, v))
                mn = jnp.minimum(mn, _tree(jnp.minimum, v))
                sm = sm + _tree(lax.add, v)
                ss = ss + _tree(lax.add, [vi * vi for vi in v])
                return (mx, mn, sm, ss)

            mx, mn, sm, ss = rbody
            acc[0, sl] = mx
            acc[1, sl] = mn
            acc[2, sl] = sm
            acc[3, sl] = ss
            return carry

        lax.fori_loop(0, NJ, jbody, 0)

    def outer(i, carry):
        kk = i * 2
        copy(kk, buf0, sem0).wait()
        process(buf0)

        @pl.when(kk + 2 < NCHUNK)
        def _():
            copy(kk + 2, buf0, sem0).start()

        copy(kk + 1, buf1, sem1).wait()
        process(buf1)

        @pl.when(kk + 3 < NCHUNK)
        def _():
            copy(kk + 3, buf1, sem1).start()

        return carry

    lax.fori_loop(0, NCHUNK // 2, outer, 0)

    pltpu.sync_copy(acc, shared.at[s])
    plsc.subcore_barrier()

    stride = 1
    while stride < WPB:
        @pl.when(rank % (2 * stride) == 0)
        def _merge():
            pltpu.sync_copy(shared.at[s + stride], pacc)

            def mbody(j, carry):
                sl = pl.ds(j * L, L)
                acc[0, sl] = jnp.maximum(acc[0, sl], pacc[0, sl])
                acc[1, sl] = jnp.minimum(acc[1, sl], pacc[1, sl])
                acc[2, sl] = acc[2, sl] + pacc[2, sl]
                acc[3, sl] = acc[3, sl] + pacc[3, sl]
                return carry

            lax.fori_loop(0, NJ, mbody, 0)
            pltpu.sync_copy(acc, shared.at[s])

        plsc.subcore_barrier()
        stride *= 2

    @pl.when(rank == 0)
    def _finalize():
        def fbody(j, carry):
            sl = pl.ds(j * L, L)
            sm = acc[2, sl]
            mean = sm * jnp.float32(1.0 / N)
            var = jnp.maximum(
                (acc[3, sl] - sm * mean) * jnp.float32(1.0 / (N - 1)), 0.0)
            acc[2, sl] = mean
            acc[3, sl] = _sqrt_sc(var)
            return carry

        lax.fori_loop(0, NJ, fbody, 0)
        pltpu.sync_copy(acc, out_hbm.at[b])


def _pool_tc_body(x_ref, o_ref):
    xb = x_ref[0]
    mx = jnp.max(xb, axis=0)
    mn = jnp.min(xb, axis=0)
    sm = jnp.sum(xb, axis=0)
    ss = jnp.sum(xb * xb, axis=0)
    mean = sm * jnp.float32(1.0 / N)
    var = jnp.maximum((ss - sm * mean) * jnp.float32(1.0 / (N - 1)), 0.0)
    o_ref[0] = jnp.stack([mx, mn, mean, jnp.sqrt(var)], axis=0)


_pool_tc = pl.pallas_call(
    _pool_tc_body,
    grid=(B - BS,),
    in_specs=[pl.BlockSpec((1, N, D), lambda i: (i + BS, 0, 0))],
    out_specs=pl.BlockSpec((1, 4, D), lambda i: (i, 0, 0)),
    out_shape=jax.ShapeDtypeStruct((B - BS, 4, D), jnp.float32),
)


def kernel(x):
    return jnp.concatenate([_pool_sc(x), _pool_tc(x)], axis=0)

# --- scband reference (transcript-rebuilt; emitter-appended) ---
"""Pipeline reference for scband-functionals-pooling-layer-11596411699464 (READ-ONLY COPY).

The authoritative reference and input builder live on the scoring server;
editing this copy changes nothing except your own understanding.
"""

import jax, jax.numpy as jnp
import numpy as np


def setup_inputs(seed: int = 0) -> dict:
    key = jax.random.key(seed)
    x = jax.random.normal(key, (16, 4096, 256), dtype=jnp.float32)
    return {"x": x}


def reference(x):
    # FunctionalsPoolingLayer with pooling_ops=(max, min, mean, std), mean_group_size=None
    # -> _pool_batch: for each graph, stack [max, min, mean, std] over nodes -> [B, 4, d]
    mx = jnp.max(x, axis=1)
    mn = jnp.min(x, axis=1)
    mean = jnp.mean(x, axis=1)
    # torch.std default uses Bessel's correction (ddof=1)
    std = jnp.std(x, axis=1, ddof=1)
    return jnp.stack([mx, mn, mean, std], axis=1)

if __name__ == "__main__":
    import jax
    _d = setup_inputs()
    print(jax.jit(kernel)(*tuple(_d.values())))

</pallas_src>

<mosaic_0001>
#map = affine_map<(d0, d1) -> (0, 0, 0)>
module attributes {stable_mosaic.version = 14 : i64} {
  func.func @_pool_sc(%arg0: i32, %arg1: i32, %arg2: memref<16x4096x256xf32, #tpu.memory_space<hbm>>, %arg3: memref<8x4x256xf32, #tpu.memory_space<hbm>>, %arg4: memref<128x256xf32, #tpu.memory_space<vmem>>, %arg5: memref<128x256xf32, #tpu.memory_space<vmem>>, %arg6: memref<4x256xf32, #tpu.memory_space<vmem>>, %arg7: memref<4x256xf32, #tpu.memory_space<vmem>>, %arg8: memref<16x4x256xf32, #tpu.memory_space<vmem_shared>>, %arg9: memref<!tpu.dma_semaphore, #tpu.memory_space<semaphore_mem>>, %arg10: memref<!tpu.dma_semaphore, #tpu.memory_space<semaphore_mem>>) attributes {dimension_semantics = [#tpu.dimension_semantics<core_parallel>, #tpu.dimension_semantics<subcore_parallel>], iteration_bounds = array<i64: 2, 16>, scalar_prefetch = 0 : i64, scratch_operands = 7 : i64, tpu.core_type = #tpu.core_type<sc_vector_subcore>, window_params = [{transform_indices = #map}, {transform_indices = #map}]} {
    %mul3A = arith.constant 4 : i32
    %mul3A_0 = arith.muli %arg0, %mul3A : i32
    %jit3A = arith.constant 4 : i32
    %div3A = arith.divsi %arg1, %jit3A : i32
    %sign3A = arith.constant 0 : i32
    %sign3A_1 = arith.cmpi sgt, %arg1, %sign3A : i32
    %sign3A_2 = arith.extui %sign3A_1 : i1 to i32
    %sign3A_3 = arith.constant 0 : i32
    %sign3A_4 = arith.cmpi slt, %arg1, %sign3A_3 : i32
    %sign3A_5 = arith.extui %sign3A_4 : i1 to i32
    %sign3A_6 = arith.subi %sign3A_2, %sign3A_5 : i32
    %sign3A_7 = arith.constant 0 : i32
    %sign3A_8 = arith.cmpi sgt, %jit3A, %sign3A_7 : i32
    %sign3A_9 = arith.extui %sign3A_8 : i1 to i32
    %sign3A_10 = arith.constant 0 : i32
    %sign3A_11 = arith.cmpi slt, %jit3A, %sign3A_10 : i32
    %sign3A_12 = arith.extui %sign3A_11 : i1 to i32
    %sign3A_13 = arith.subi %sign3A_9, %sign3A_12 : i32
    %ne3A = arith.cmpi ne, %sign3A_6, %sign3A_13 : i32
    %rem3A = arith.remsi %arg1, %jit3A : i32
    %ne3A_14 = arith.constant 0 : i32
    %ne3A_15 = arith.cmpi ne, %rem3A, %ne3A_14 : i32
    %and3A = arith.andi %ne3A, %ne3A_15 : i1
    %sub3A = arith.constant 1 : i32
    %sub3A_16 = arith.subi %div3A, %sub3A : i32
    %select_n3A = arith.select %and3A, %sub3A_16, %div3A : i32
    %add3A = arith.addi %mul3A_0, %select_n3A : i32
    %jit3A_17 = arith.constant 4 : i32
    %eq3A = arith.constant 0 : i32
    %eq3A_18 = arith.cmpi eq, %jit3A_17, %eq3A : i32
    %jit3A_19 = arith.constant 1 : i32
    %select_n3A_20 = arith.select %eq3A_18, %jit3A_19, %jit3A_17 : i32
    %rem3A_21 = arith.remsi %arg1, %select_n3A_20 : i32
    %ne3A_22 = arith.constant 0 : i32
    %ne3A_23 = arith.cmpi ne, %rem3A_21, %ne3A_22 : i32
    %lt3A = arith.constant 0 : i32
    %lt3A_24 = arith.cmpi slt, %rem3A_21, %lt3A : i32
    %lt3A_25 = arith.constant 0 : i32
    %lt3A_26 = arith.cmpi slt, %select_n3A_20, %lt3A_25 : i32
    %ne3A_27 = arith.xori %lt3A_24, %lt3A_26 : i1
    %and3A_28 = arith.andi %ne3A_27, %ne3A_23 : i1
    %add3A_29 = arith.addi %rem3A_21, %select_n3A_20 : i32
    %select_n3A_30 = arith.select %and3A_28, %add3A_29, %rem3A_21 : i32
    %mul3A_31 = arith.constant 1024 : i32
    %mul3A_32 = arith.muli %select_n3A_30, %mul3A_31 : i32
    %scan3A = arith.constant 0 : i32
    %scan3A_33 = arith.constant 0 : i32
    %scan3A_34 = arith.constant 16 : i32
    %scan3A_35 = arith.addi %scan3A_33, %scan3A_34 : i32
    %scan3A_36 = arith.constant 1 : i32
    scf.for %scan3A_106 = %scan3A_33 to %scan3A_35 step %scan3A_36  : i32 {
      %mul3A_107 = arith.constant 16 : i32
      %mul3A_108 = arith.muli %scan3A_106, %mul3A_107 : i32
      %broadcast_in_dim3A = arith.constant 0xFF800000 : f32
      %broadcast_in_dim3A_109 = vector.broadcast %broadcast_in_dim3A : f32 to vector<16xf32>
      %swap3A = arith.constant 0 : i32
      %swap3A_110 = arith.index_cast %swap3A : i32 to index
      %swap3A_111 = arith.index_cast %mul3A_108 : i32 to index
      %swap3A_112 = tpu.vector_load %arg6[%swap3A_110, %swap3A_111] {strides = array<i32>} : memref<4x256xf32, #tpu.memory_space<vmem>>, vector<1x16xf32>,
      %swap3A_113 = vector.shape_cast %swap3A_112 : vector<1x16xf32> to vector<16xf32>
      %swap3A_114 = vector.shape_cast %broadcast_in_dim3A_109 : vector<16xf32> to vector<1x16xf32>
      tpu.vector_store %arg6[%swap3A_110, %swap3A_111], %swap3A_114 {strides = array<i32>} : memref<4x256xf32, #tpu.memory_space<vmem>>, vector<1x16xf32>,
      %broadcast_in_dim3A_115 = arith.constant 0x7F800000 : f32
      %broadcast_in_dim3A_116 = vector.broadcast %broadcast_in_dim3A_115 : f32 to vector<16xf32>
      %swap3A_117 = arith.constant 1 : i32
      %swap3A_118 = arith.index_cast %swap3A_117 : i32 to index
      %swap3A_119 = arith.index_cast %mul3A_108 : i32 to index
      %swap3A_120 = tpu.vector_load %arg6[%swap3A_118, %swap3A_119] {strides = array<i32>} : memref<4x256xf32, #tpu.memory_space<vmem>>, vector<1x16xf32>,
      %swap3A_121 = vector.shape_cast %swap3A_120 : vector<1x16xf32> to vector<16xf32>
      %swap3A_122 = vector.shape_cast %broadcast_in_dim3A_116 : vector<16xf32> to vector<1x16xf32>
      tpu.vector_store %arg6[%swap3A_118, %swap3A_119], %swap3A_122 {strides = array<i32>} : memref<4x256xf32, #tpu.memory_space<vmem>>, vector<1x16xf32>,
      %broadcast_in_dim3A_123 = arith.constant 0.000000e+00 : f32
      %broadcast_in_dim3A_124 = vector.broadcast %broadcast_in_dim3A_123 : f32 to vector<16xf32>
      %swap3A_125 = arith.constant 2 : i32
      %swap3A_126 = arith.index_cast %swap3A_125 : i32 to index
      %swap3A_127 = arith.index_cast %mul3A_108 : i32 to index
      %swap3A_128 = tpu.vector_load %arg6[%swap3A_126, %swap3A_127] {strides = array<i32>} : memref<4x256xf32, #tpu.memory_space<vmem>>, vector<1x16xf32>,
      %swap3A_129 = vector.shape_cast %swap3A_128 : vector<1x16xf32> to vector<16xf32>
      %swap3A_130 = vector.shape_cast %broadcast_in_dim3A_124 : vector<16xf32> to vector<1x16xf32>
      tpu.vector_store %arg6[%swap3A_126, %swap3A_127], %swap3A_130 {strides = array<i32>} : memref<4x256xf32, #tpu.memory_space<vmem>>, vector<1x16xf32>,
      %broadcast_in_dim3A_131 = arith.constant 0.000000e+00 : f32
      %broadcast_in_dim3A_132 = vector.broadcast %broadcast_in_dim3A_131 : f32 to vector<16xf32>
      %swap3A_133 = arith.constant 3 : i32
      %swap3A_134 = arith.index_cast %swap3A_133 : i32 to index
      %swap3A_135 = arith.index_cast %mul3A_108 : i32 to index
      %swap3A_136 = tpu.vector_load %arg6[%swap3A_134, %swap3A_135] {strides = array<i32>} : memref<4x256xf32, #tpu.memory_space<vmem>>, vector<1x16xf32>,
      %swap3A_137 = vector.shape_cast %swap3A_136 : vector<1x16xf32> to vector<16xf32>
      %swap3A_138 = vector.shape_cast %broadcast_in_dim3A_132 : vector<16xf32> to vector<1x16xf32>
      tpu.vector_store %arg6[%swap3A_134, %swap3A_135], %swap3A_138 {strides = array<i32>} : memref<4x256xf32, #tpu.memory_space<vmem>>, vector<1x16xf32>,
    }
    %scan3A_37 = arith.constant 16 : i32
    %add3A_38 = arith.constant 0 : i32
    %add3A_39 = arith.addi %mul3A_32, %add3A_38 : i32
    %dma_start3A = arith.constant 0 : i32
    %dma_start3A_40 = tpu.memref_slice %arg2[%add3A, %add3A_39, %dma_start3A] : memref<16x4096x256xf32, #tpu.memory_space<hbm>> -> memref<1x128x256xf32, #tpu.memory_space<hbm>>
    %dma_start3A_41 = tpu.memref_squeeze %dma_start3A_40 : memref<1x128x256xf32, #tpu.memory_space<hbm>> -> memref<128x256xf32, #tpu.memory_space<hbm>>
    %dma_start3A_42 = arith.constant 0 : i32
    %dma_start3A_43 = tpu.memref_slice %arg2[%add3A, %add3A_39, %dma_start3A_42] : memref<16x4096x256xf32, #tpu.memory_space<hbm>> -> memref<1x128x256xf32, #tpu.memory_space<hbm>>
    %dma_start3A_44 = tpu.memref_squeeze %dma_start3A_43 : memref<1x128x256xf32, #tpu.memory_space<hbm>> -> memref<128x256xf32, #tpu.memory_space<hbm>>
    tpu.enqueue_dma source(%dma_start3A_44 : memref<128x256xf32, #tpu.memory_space<hbm>>) target(%arg4 : memref<128x256xf32, #tpu.memory_space<vmem>>) target_semaphore(%arg9 : memref<!tpu.dma_semaphore, #tpu.memory_space<semaphore_mem>>)
    %add3A_45 = arith.constant 128 : i32
    %add3A_46 = arith.addi %mul3A_32, %add3A_45 : i32
    %dma_start3A_47 = arith.constant 0 : i32
    %dma_start3A_48 = tpu.memref_slice %arg2[%add3A, %add3A_46, %dma_start3A_47] : memref<16x4096x256xf32, #tpu.memory_space<hbm>> -> memref<1x128x256xf32, #tpu.memory_space<hbm>>
    %dma_start3A_49 = tpu.memref_squeeze %dma_start3A_48 : memref<1x128x256xf32, #tpu.memory_space<hbm>> -> memref<128x256xf32, #tpu.memory_space<hbm>>
    %dma_start3A_50 = arith.constant 0 : i32
    %dma_start3A_51 = tpu.memref_slice %arg2[%add3A, %add3A_46, %dma_start3A_50] : memref<16x4096x256xf32, #tpu.memory_space<hbm>> -> memref<1x128x256xf32, #tpu.memory_space<hbm>>
    %dma_start3A_52 = tpu.memref_squeeze %dma_start3A_51 : memref<1x128x256xf32, #tpu.memory_space<hbm>> -> memref<128x256xf32, #tpu.memory_space<hbm>>
    tpu.enqueue_dma source(%dma_start3A_52 : memref<128x256xf32, #tpu.memory_space<hbm>>) target(%arg5 : memref<128x256xf32, #tpu.memory_space<vmem>>) target_semaphore(%arg10 : memref<!tpu.dma_semaphore, #tpu.memory_space<semaphore_mem>>)
    %scan3A_53 = arith.constant 0 : i32
    %scan3A_54 = arith.constant 0 : i32
    %scan3A_55 = arith.constant 4 : i32
    %scan3A_56 = arith.addi %scan3A_54, %scan3A_55 : i32
    %scan3A_57 = arith.constant 1 : i32
    scf.for %scan3A_106 = %scan3A_54 to %scan3A_56 step %scan3A_57  : i32 {
      %mul3A_107 = arith.constant 2 : i32
      %mul3A_108 = arith.muli %scan3A_106, %mul3A_107 : i32
      %mul3A_109 = arith.constant 128 : i32
      %mul3A_110 = arith.muli %mul3A_108, %mul3A_109 : i32
      %add3A_111 = arith.addi %mul3A_32, %mul3A_110 : i32
      %dma_wait3A = arith.constant 0 : i32
      %dma_wait3A_112 = tpu.memref_slice %arg2[%add3A, %add3A_111, %dma_wait3A] : memref<16x4096x256xf32, #tpu.memory_space<hbm>> -> memref<1x128x256xf32, #tpu.memory_space<hbm>>
      %dma_wait3A_113 = tpu.memref_squeeze %dma_wait3A_112 : memref<1x128x256xf32, #tpu.memory_space<hbm>> -> memref<128x256xf32, #tpu.memory_space<hbm>>
      %dma_wait3A_114 = arith.constant 0 : i32
      %dma_wait3A_115 = tpu.memref_slice %arg2[%add3A, %add3A_111, %dma_wait3A_114] : memref<16x4096x256xf32, #tpu.memory_space<hbm>> -> memref<1x128x256xf32, #tpu.memory_space<hbm>>
      %dma_wait3A_116 = tpu.memref_squeeze %dma_wait3A_115 : memref<1x128x256xf32, #tpu.memory_space<hbm>> -> memref<128x256xf32, #tpu.memory_space<hbm>>
      tpu.wait_dma2 semaphore(%arg9 : memref<!tpu.dma_semaphore, #tpu.memory_space<semaphore_mem>>) src(%dma_wait3A_116 : memref<128x256xf32, #tpu.memory_space<hbm>>) dst(%arg4 : memref<128x256xf32, #tpu.memory_space<vmem>>)
      %scan3A_117 = arith.constant 0 : i32
      %scan3A_118 = arith.constant 0 : i32
      %scan3A_119 = arith.constant 16 : i32
      %scan3A_120 = arith.addi %scan3A_118, %scan3A_119 : i32
      %scan3A_121 = arith.constant 1 : i32
      scf.for %scan3A_154 = %scan3A_118 to %scan3A_120 step %scan3A_121  : i32 {
        %mul3A_155 = arith.constant 16 : i32
        %mul3A_156 = arith.muli %scan3A_154, %mul3A_155 : i32
        %get3A = arith.constant 0 : i32
        %get3A_157 = arith.index_cast %get3A : i32 to index
        %get3A_158 = arith.index_cast %mul3A_156 : i32 to index
        %get3A_159 = tpu.vector_load %arg6[%get3A_157, %get3A_158] {strides = array<i32>} : memref<4x256xf32, #tpu.memory_space<vmem>>, vector<1x16xf32>,
        %get3A_160 = vector.shape_cast %get3A_159 : vector<1x16xf32> to vector<16xf32>
        %get3A_161 = arith.constant 1 : i32
        %get3A_162 = arith.index_cast %get3A_161 : i32 to index
        %get3A_163 = arith.index_cast %mul3A_156 : i32 to index
        %get3A_164 = tpu.vector_load %arg6[%get3A_162, %get3A_163] {strides = array<i32>} : memref<4x256xf32, #tpu.memory_space<vmem>>, vector<1x16xf32>,
        %get3A_165 = vector.shape_cast %get3A_164 : vector<1x16xf32> to vector<16xf32>
        %get3A_166 = arith.constant 2 : i32
        %get3A_167 = arith.index_cast %get3A_166 : i32 to index
        %get3A_168 = arith.index_cast %mul3A_156 : i32 to index
        %get3A_169 = tpu.vector_load %arg6[%get3A_167, %get3A_168] {strides = array<i32>} : memref<4x256xf32, #tpu.memory_space<vmem>>, vector<1x16xf32>,
        %get3A_170 = vector.shape_cast %get3A_169 : vector<1x16xf32> to vector<16xf32>
        %get3A_171 = arith.constant 3 : i32
        %get3A_172 = arith.index_cast %get3A_171 : i32 to index
        %get3A_173 = arith.index_cast %mul3A_156 : i32 to index
        %get3A_174 = tpu.vector_load %arg6[%get3A_172, %get3A_173] {strides = array<i32>} : memref<4x256xf32, #tpu.memory_space<vmem>>, vector<1x16xf32>,
        %get3A_175 = vector.shape_cast %get3A_174 : vector<1x16xf32> to vector<16xf32>
        %parallel_loop3A = arith.constant 0 : i32
        %parallel_loop3A_176 = arith.constant 128 : i32
        %parallel_loop3A_177 = arith.constant 8 : i32
        %parallel_loop3A_178:4 = scf.for %parallel_loop3A_202 = %parallel_loop3A to %parallel_loop3A_176 step %parallel_loop3A_177 iter_args(%parallel_loop3A_203 = %get3A_160, %parallel_loop3A_204 = %get3A_165, %parallel_loop3A_205 = %get3A_170, %parallel_loop3A_206 = %get3A_175) -> (vector<16xf32>, vector<16xf32>, vector<16xf32>, vector<16xf32>)  : i32 {
          %parallel_loop3A_207 = arith.constant 0 : i32
          %parallel_loop3A_208 = arith.addi %parallel_loop3A_202, %parallel_loop3A_207 : i32
          %parallel_loop3A_209 = arith.index_cast %parallel_loop3A_208 : i32 to index
          %parallel_loop3A_210 = arith.index_cast %mul3A_156 : i32 to index
          %parallel_loop3A_211 = tpu.vector_load %arg4[%parallel_loop3A_209, %parallel_loop3A_210] {strides = array<i32>} : memref<128x256xf32, #tpu.memory_space<vmem>>, vector<1x16xf32>,
          %parallel_loop3A_212 = vector.shape_cast %parallel_loop3A_211 : vector<1x16xf32> to vector<16xf32>
          %parallel_loop3A_213 = arith.constant 1 : i32
          %parallel_loop3A_214 = arith.addi %parallel_loop3A_202, %parallel_loop3A_213 : i32
          %parallel_loop3A_215 = arith.index_cast %parallel_loop3A_214 : i32 to index
          %parallel_loop3A_216 = arith.index_cast %mul3A_156 : i32 to index
          %parallel_loop3A_217 = tpu.vector_load %arg4[%parallel_loop3A_215, %parallel_loop3A_216] {strides = array<i32>} : memref<128x256xf32, #tpu.memory_space<vmem>>, vector<1x16xf32>,
          %parallel_loop3A_218 = vector.shape_cast %parallel_loop3A_217 : vector<1x16xf32> to vector<16xf32>
          %parallel_loop3A_219 = arith.constant 2 : i32
          %parallel_loop3A_220 = arith.addi %parallel_loop3A_202, %parallel_loop3A_219 : i32
          %parallel_loop3A_221 = arith.index_cast %parallel_loop3A_220 : i32 to index
          %parallel_loop3A_222 = arith.index_cast %mul3A_156 : i32 to index
          %parallel_loop3A_223 = tpu.vector_load %arg4[%parallel_loop3A_221, %parallel_loop3A_222] {strides = array<i32>} : memref<128x256xf32, #tpu.memory_space<vmem>>, vector<1x16xf32>,
          %parallel_loop3A_224 = vector.shape_cast %parallel_loop3A_223 : vector<1x16xf32> to vector<16xf32>
          %parallel_loop3A_225 = arith.constant 3 : i32
          %parallel_loop3A_226 = arith.addi %parallel_loop3A_202, %parallel_loop3A_225 : i32
          %parallel_loop3A_227 = arith.index_cast %parallel_loop3A_226 : i32 to index
          %parallel_loop3A_228 = arith.index_cast %mul3A_156 : i32 to index
          %parallel_loop3A_229 = tpu.vector_load %arg4[%parallel_loop3A_227, %parallel_loop3A_228] {strides = array<i32>} : memref<128x256xf32, #tpu.memory_space<vmem>>, vector<1x16xf32>,
          %parallel_loop3A_230 = vector.shape_cast %parallel_loop3A_229 : vector<1x16xf32> to vector<16xf32>
          %parallel_loop3A_231 = arith.constant 4 : i32
          %parallel_loop3A_232 = arith.addi %parallel_loop3A_202, %parallel_loop3A_231 : i32
          %parallel_loop3A_233 = arith.index_cast %parallel_loop3A_232 : i32 to index
          %parallel_loop3A_234 = arith.index_cast %mul3A_156 : i32 to index
          %parallel_loop3A_235 = tpu.vector_load %arg4[%parallel_loop3A_233, %parallel_loop3A_234] {strides = array<i32>} : memref<128x256xf32, #tpu.memory_space<vmem>>, vector<1x16xf32>,
          %parallel_loop3A_236 = vector.shape_cast %parallel_loop3A_235 : vector<1x16xf32> to vector<16xf32>
          %parallel_loop3A_237 = arith.constant 5 : i32
          %parallel_loop3A_238 = arith.addi %parallel_loop3A_202, %parallel_loop3A_237 : i32
          %parallel_loop3A_239 = arith.index_cast %parallel_loop3A_238 : i32 to index
          %parallel_loop3A_240 = arith.index_cast %mul3A_156 : i32 to index
          %parallel_loop3A_241 = tpu.vector_load %arg4[%parallel_loop3A_239, %parallel_loop3A_240] {strides = array<i32>} : memref<128x256xf32, #tpu.memory_space<vmem>>, vector<1x16xf32>,
          %parallel_loop3A_242 = vector.shape_cast %parallel_loop3A_241 : vector<1x16xf32> to vector<16xf32>
          %parallel_loop3A_243 = arith.constant 6 : i32
          %parallel_loop3A_244 = arith.addi %parallel_loop3A_202, %parallel_loop3A_243 : i32
          %parallel_loop3A_245 = arith.index_cast %parallel_loop3A_244 : i32 to index
          %parallel_loop3A_246 = arith.index_cast %mul3A_156 : i32 to index
          %parallel_loop3A_247 = tpu.vector_load %arg4[%parallel_loop3A_245, %parallel_loop3A_246] {strides = array<i32>} : memref<128x256xf32, #tpu.memory_space<vmem>>, vector<1x16xf32>,
          %parallel_loop3A_248 = vector.shape_cast %parallel_loop3A_247 : vector<1x16xf32> to vector<16xf32>
          %parallel_loop3A_249 = arith.constant 7 : i32
          %parallel_loop3A_250 = arith.addi %parallel_loop3A_202, %parallel_loop3A_249 : i32
          %parallel_loop3A_251 = arith.index_cast %parallel_loop3A_250 : i32 to index
          %parallel_loop3A_252 = arith.index_cast %mul3A_156 : i32 to index
          %parallel_loop3A_253 = tpu.vector_load %arg4[%parallel_loop3A_251, %parallel_loop3A_252] {strides = array<i32>} : memref<128x256xf32, #tpu.memory_space<vmem>>, vector<1x16xf32>,
          %parallel_loop3A_254 = vector.shape_cast %parallel_loop3A_253 : vector<1x16xf32> to vector<16xf32>
          %parallel_loop3A_255 = arith.maximumf %parallel_loop3A_212, %parallel_loop3A_218 : vector<16xf32>
          %parallel_loop3A_256 = arith.maximumf %parallel_loop3A_224, %parallel_loop3A_230 : vector<16xf32>
          %parallel_loop3A_257 = arith.maximumf %parallel_loop3A_236, %parallel_loop3A_242 : vector<16xf32>
          %parallel_loop3A_258 = arith.maximumf %parallel_loop3A_248, %parallel_loop3A_254 : vector<16xf32>
          %parallel_loop3A_259 = arith.maximumf %parallel_loop3A_255, %parallel_loop3A_256 : vector<16xf32>
          %parallel_loop3A_260 = arith.maximumf %parallel_loop3A_257, %parallel_loop3A_258 : vector<16xf32>
          %parallel_loop3A_261 = arith.maximumf %parallel_loop3A_259, %parallel_loop3A_260 : vector<16xf32>
          %parallel_loop3A_262 = arith.maximumf %parallel_loop3A_203, %parallel_loop3A_261 : vector<16xf32>
          %parallel_loop3A_263 = arith.minimumf %parallel_loop3A_212, %parallel_loop3A_218 : vector<16xf32>
          %parallel_loop3A_264 = arith.minimumf %parallel_loop3A_224, %parallel_loop3A_230 : vector<16xf32>
          %parallel_loop3A_265 = arith.minimumf %parallel_loop3A_236, %parallel_loop3A_242 : vector<16xf32>
          %parallel_loop3A_266 = arith.minimumf %parallel_loop3A_248, %parallel_loop3A_254 : vector<16xf32>
          %parallel_loop3A_267 = arith.minimumf %parallel_loop3A_263, %parallel_loop3A_264 : vector<16xf32>
          %parallel_loop3A_268 = arith.minimumf %parallel_loop3A_265, %parallel_loop3A_266 : vector<16xf32>
          %parallel_loop3A_269 = arith.minimumf %parallel_loop3A_267, %parallel_loop3A_268 : vector<16xf32>
          %parallel_loop3A_270 = arith.minimumf %parallel_loop3A_204, %parallel_loop3A_269 : vector<16xf32>
          %parallel_loop3A_271 = arith.addf %parallel_loop3A_212, %parallel_loop3A_218 : vector<16xf32>
          %parallel_loop3A_272 = arith.addf %parallel_loop3A_224, %parallel_loop3A_230 : vector<16xf32>
          %parallel_loop3A_273 = arith.addf %parallel_loop3A_236, %parallel_loop3A_242 : vector<16xf32>
          %parallel_loop3A_274 = arith.addf %parallel_loop3A_248, %parallel_loop3A_254 : vector<16xf32>
          %parallel_loop3A_275 = arith.addf %parallel_loop3A_271, %parallel_loop3A_272 : vector<16xf32>
          %parallel_loop3A_276 = arith.addf %parallel_loop3A_273, %parallel_loop3A_274 : vector<16xf32>
          %parallel_loop3A_277 = arith.addf %parallel_loop3A_275, %parallel_loop3A_276 : vector<16xf32>
          %parallel_loop3A_278 = arith.addf %parallel_loop3A_205, %parallel_loop3A_277 : vector<16xf32>
          %parallel_loop3A_279 = arith.mulf %parallel_loop3A_212, %parallel_loop3A_212 : vector<16xf32>
          %parallel_loop3A_280 = arith.mulf %parallel_loop3A_218, %parallel_loop3A_218 : vector<16xf32>
          %parallel_loop3A_281 = arith.mulf %parallel_loop3A_224, %parallel_loop3A_224 : vector<16xf32>
          %parallel_loop3A_282 = arith.mulf %parallel_loop3A_230, %parallel_loop3A_230 : vector<16xf32>
          %parallel_loop3A_283 = arith.mulf %parallel_loop3A_236, %parallel_loop3A_236 : vector<16xf32>
          %parallel_loop3A_284 = arith.mulf %parallel_loop3A_242, %parallel_loop3A_242 : vector<16xf32>
          %parallel_loop3A_285 = arith.mulf %parallel_loop3A_248, %parallel_loop3A_248 : vector<16xf32>
          %parallel_loop3A_286 = arith.mulf %parallel_loop3A_254, %parallel_loop3A_254 : vector<16xf32>
          %parallel_loop3A_287 = arith.addf %parallel_loop3A_279, %parallel_loop3A_280 : vector<16xf32>
          %parallel_loop3A_288 = arith.addf %parallel_loop3A_281, %parallel_loop3A_282 : vector<16xf32>
          %parallel_loop3A_289 = arith.addf %parallel_loop3A_283, %parallel_loop3A_284 : vector<16xf32>
          %parallel_loop3A_290 = arith.addf %parallel_loop3A_285, %parallel_loop3A_286 : vector<16xf32>
          %parallel_loop3A_291 = arith.addf %parallel_loop3A_287, %parallel_loop3A_288 : vector<16xf32>
          %parallel_loop3A_292 = arith.addf %parallel_loop3A_289, %parallel_loop3A_290 : vector<16xf32>
          %parallel_loop3A_293 = arith.addf %parallel_loop3A_291, %parallel_loop3A_292 : vector<16xf32>
          %parallel_loop3A_294 = arith.addf %parallel_loop3A_206, %parallel_loop3A_293 : vector<16xf32>
          scf.yield %parallel_loop3A_262, %parallel_loop3A_270, %parallel_loop3A_278, %parallel_loop3A_294 : vector<16xf32>, vector<16xf32>, vector<16xf32>, vector<16xf32>
        } {sc.loop_unroll_factor = 1 : i64, sc.parallel_access}
        %swap3A = arith.constant 0 : i32
        %swap3A_179 = arith.index_cast %swap3A : i32 to index
        %swap3A_180 = arith.index_cast %mul3A_156 : i32 to index
        %swap3A_181 = tpu.vector_load %arg6[%swap3A_179, %swap3A_180] {strides = array<i32>} : memref<4x256xf32, #tpu.memory_space<vmem>>, vector<1x16xf32>,
        %swap3A_182 = vector.shape_cast %swap3A_181 : vector<1x16xf32> to vector<16xf32>
        %swap3A_183 = vector.shape_cast %parallel_loop3A_178#0 : vector<16xf32> to vector<1x16xf32>
        tpu.vector_store %arg6[%swap3A_179, %swap3A_180], %swap3A_183 {strides = array<i32>} : memref<4x256xf32, #tpu.memory_space<vmem>>, vector<1x16xf32>,
        %swap3A_184 = arith.constant 1 : i32
        %swap3A_185 = arith.index_cast %swap3A_184 : i32 to index
        %swap3A_186 = arith.index_cast %mul3A_156 : i32 to index
        %swap3A_187 = tpu.vector_load %arg6[%swap3A_185, %swap3A_186] {strides = array<i32>} : memref<4x256xf32, #tpu.memory_space<vmem>>, vector<1x16xf32>,
        %swap3A_188 = vector.shape_cast %swap3A_187 : vector<1x16xf32> to vector<16xf32>
        %swap3A_189 = vector.shape_cast %parallel_loop3A_178#1 : vector<16xf32> to vector<1x16xf32>
        tpu.vector_store %arg6[%swap3A_185, %swap3A_186], %swap3A_189 {strides = array<i32>} : memref<4x256xf32, #tpu.memory_space<vmem>>, vector<1x16xf32>,
        %swap3A_190 = arith.constant 2 : i32
        %swap3A_191 = arith.index_cast %swap3A_190 : i32 to index
        %swap3A_192 = arith.index_cast %mul3A_156 : i32 to index
        %swap3A_193 = tpu.vector_load %arg6[%swap3A_191, %swap3A_192] {strides = array<i32>} : memref<4x256xf32, #tpu.memory_space<vmem>>, vector<1x16xf32>,
        %swap3A_194 = vector.shape_cast %swap3A_193 : vector<1x16xf32> to vector<16xf32>
        %swap3A_195 = vector.shape_cast %parallel_loop3A_178#2 : vector<16xf32> to vector<1x16xf32>
        tpu.vector_store %arg6[%swap3A_191, %swap3A_192], %swap3A_195 {strides = array<i32>} : memref<4x256xf32, #tpu.memory_space<vmem>>, vector<1x16xf32>,
        %swap3A_196 = arith.constant 3 : i32
        %swap3A_197 = arith.index_cast %swap3A_196 : i32 to index
        %swap3A_198 = arith.index_cast %mul3A_156 : i32 to index
        %swap3A_199 = tpu.vector_load %arg6[%swap3A_197, %swap3A_198] {strides = array<i32>} : memref<4x256xf32, #tpu.memory_space<vmem>>, vector<1x16xf32>,
        %swap3A_200 = vector.shape_cast %swap3A_199 : vector<1x16xf32> to vector<16xf32>
        %swap3A_201 = vector.shape_cast %parallel_loop3A_178#3 : vector<16xf32> to vector<1x16xf32>
        tpu.vector_store %arg6[%swap3A_197, %swap3A_198], %swap3A_201 {strides = array<i32>} : memref<4x256xf32, #tpu.memory_space<vmem>>, vector<1x16xf32>,
      }
      %scan3A_122 = arith.constant 16 : i32
      %add3A_123 = arith.constant 2 : i32
      %add3A_124 = arith.addi %mul3A_108, %add3A_123 : i32
      %lt3A_125 = arith.constant 8 : i32
      %lt3A_126 = arith.cmpi slt, %add3A_124, %lt3A_125 : i32
      %convert_element_type3A_127 = arith.extui %lt3A_126 : i1 to i32
      %cond3A_128 = arith.constant 0 : i32
      %cond3A_129 = arith.cmpi ne, %convert_element_type3A_127, %cond3A_128 : i32
      scf.if %cond3A_129 {
        %add3A_154 = arith.constant 2 : i32
        %add3A_155 = arith.addi %mul3A_108, %add3A_154 : i32
        %mul3A_156 = arith.constant 128 : i32
        %mul3A_157 = arith.muli %add3A_155, %mul3A_156 : i32
        %add3A_158 = arith.addi %mul3A_32, %mul3A_157 : i32
        %dma_start3A_159 = arith.constant 0 : i32
        %dma_start3A_160 = tpu.memref_slice %arg2[%add3A, %add3A_158, %dma_start3A_159] : memref<16x4096x256xf32, #tpu.memory_space<hbm>> -> memref<1x128x256xf32, #tpu.memory_space<hbm>>
        %dma_start3A_161 = tpu.memref_squeeze %dma_start3A_160 : memref<1x128x256xf32, #tpu.memory_space<hbm>> -> memref<128x256xf32, #tpu.memory_space<hbm>>
        %dma_start3A_162 = arith.constant 0 : i32
        %dma_start3A_163 = tpu.memref_slice %arg2[%add3A, %add3A_158, %dma_start3A_162] : memref<16x4096x256xf32, #tpu.memory_space<hbm>> -> memref<1x128x256xf32, #tpu.memory_space<hbm>>
        %dma_start3A_164 = tpu.memref_squeeze %dma_start3A_163 : memref<1x128x256xf32, #tpu.memory_space<hbm>> -> memref<128x256xf32, #tpu.memory_space<hbm>>
        tpu.enqueue_dma source(%dma_start3A_164 : memref<128x256xf32, #tpu.memory_space<hbm>>) target(%arg4 : memref<128x256xf32, #tpu.memory_space<vmem>>) target_semaphore(%arg9 : memref<!tpu.dma_semaphore, #tpu.memory_space<semaphore_mem>>)
      } else {
      }
      %add3A_130 = arith.constant 1 : i32
      %add3A_131 = arith.addi %mul3A_108, %add3A_130 : i32
      %mul3A_132 = arith.constant 128 : i32
      %mul3A_133 = arith.muli %add3A_131, %mul3A_132 : i32
      %add3A_134 = arith.addi %mul3A_32, %mul3A_133 : i32
      %dma_wait3A_135 = arith.constant 0 : i32
      %dma_wait3A_136 = tpu.memref_slice %arg2[%add3A, %add3A_134, %dma_wait3A_135] : memref<16x4096x256xf32, #tpu.memory_space<hbm>> -> memref<1x128x256xf32, #tpu.memory_space<hbm>>
      %dma_wait3A_137 = tpu.memref_squeeze %dma_wait3A_136 : memref<1x128x256xf32, #tpu.memory_space<hbm>> -> memref<128x256xf32, #tpu.memory_space<hbm>>
      %dma_wait3A_138 = arith.constant 0 : i32
      %dma_wait3A_139 = tpu.memref_slice %arg2[%add3A, %add3A_134, %dma_wait3A_138] : memref<16x4096x256xf32, #tpu.memory_space<hbm>> -> memref<1x128x256xf32, #tpu.memory_space<hbm>>
      %dma_wait3A_140 = tpu.memref_squeeze %dma_wait3A_139 : memref<1x128x256xf32, #tpu.memory_space<hbm>> -> memref<128x256xf32, #tpu.memory_space<hbm>>
      tpu.wait_dma2 semaphore(%arg10 : memref<!tpu.dma_semaphore, #tpu.memory_space<semaphore_mem>>) src(%dma_wait3A_140 : memref<128x256xf32, #tpu.memory_space<hbm>>) dst(%arg5 : memref<128x256xf32, #tpu.memory_space<vmem>>)
      %scan3A_141 = arith.constant 0 : i32
      %scan3A_142 = arith.constant 0 : i32
      %scan3A_143 = arith.constant 16 : i32
      %scan3A_144 = arith.addi %scan3A_142, %scan3A_143 : i32
      %scan3A_145 = arith.constant 1 : i32
      scf.for %scan3A_154 = %scan3A_142 to %scan3A_144 step %scan3A_145  : i32 {
        %mul3A_155 = arith.constant 16 : i32
        %mul3A_156 = arith.muli %scan3A_154, %mul3A_155 : i32
        %get3A = arith.constant 0 : i32
        %get3A_157 = arith.index_cast %get3A : i32 to index
        %get3A_158 = arith.index_cast %mul3A_156 : i32 to index
        %get3A_159 = tpu.vector_load %arg6[%get3A_157, %get3A_158] {strides = array<i32>} : memref<4x256xf32, #tpu.memory_space<vmem>>, vector<1x16xf32>,
        %get3A_160 = vector.shape_cast %get3A_159 : vector<1x16xf32> to vector<16xf32>
        %get3A_161 = arith.constant 1 : i32
        %get3A_162 = arith.index_cast %get3A_161 : i32 to index
        %get3A_163 = arith.index_cast %mul3A_156 : i32 to index
        %get3A_164 = tpu.vector_load %arg6[%get3A_162, %get3A_163] {strides = array<i32>} : memref<4x256xf32, #tpu.memory_space<vmem>>, vector<1x16xf32>,
        %get3A_165 = vector.shape_cast %get3A_164 : vector<1x16xf32> to vector<16xf32>
        %get3A_166 = arith.constant 2 : i32
        %get3A_167 = arith.index_cast %get3A_166 : i32 to index
        %get3A_168 = arith.index_cast %mul3A_156 : i32 to index
        %get3A_169 = tpu.vector_load %arg6[%get3A_167, %get3A_168] {strides = array<i32>} : memref<4x256xf32, #tpu.memory_space<vmem>>, vector<1x16xf32>,
        %get3A_170 = vector.shape_cast %get3A_169 : vector<1x16xf32> to vector<16xf32>
        %get3A_171 = arith.constant 3 : i32
        %get3A_172 = arith.index_cast %get3A_171 : i32 to index
        %get3A_173 = arith.index_cast %mul3A_156 : i32 to index
        %get3A_174 = tpu.vector_load %arg6[%get3A_172, %get3A_173] {strides = array<i32>} : memref<4x256xf32, #tpu.memory_space<vmem>>, vector<1x16xf32>,
        %get3A_175 = vector.shape_cast %get3A_174 : vector<1x16xf32> to vector<16xf32>
        %parallel_loop3A = arith.constant 0 : i32
        %parallel_loop3A_176 = arith.constant 128 : i32
        %parallel_loop3A_177 = arith.constant 8 : i32
        %parallel_loop3A_178:4 = scf.for %parallel_loop3A_202 = %parallel_loop3A to %parallel_loop3A_176 step %parallel_loop3A_177 iter_args(%parallel_loop3A_203 = %get3A_160, %parallel_loop3A_204 = %get3A_165, %parallel_loop3A_205 = %get3A_170, %parallel_loop3A_206 = %get3A_175) -> (vector<16xf32>, vector<16xf32>, vector<16xf32>, vector<16xf32>)  : i32 {
          %parallel_loop3A_207 = arith.constant 0 : i32
          %parallel_loop3A_208 = arith.addi %parallel_loop3A_202, %parallel_loop3A_207 : i32
          %parallel_loop3A_209 = arith.index_cast %parallel_loop3A_208 : i32 to index
          %parallel_loop3A_210 = arith.index_cast %mul3A_156 : i32 to index
          %parallel_loop3A_211 = tpu.vector_load %arg5[%parallel_loop3A_209, %parallel_loop3A_210] {strides = array<i32>} : memref<128x256xf32, #tpu.memory_space<vmem>>, vector<1x16xf32>,
          %parallel_loop3A_212 = vector.shape_cast %parallel_loop3A_211 : vector<1x16xf32> to vector<16xf32>
          %parallel_loop3A_213 = arith.constant 1 : i32
          %parallel_loop3A_214 = arith.addi %parallel_loop3A_202, %parallel_loop3A_213 : i32
          %parallel_loop3A_215 = arith.index_cast %parallel_loop3A_214 : i32 to index
          %parallel_loop3A_216 = arith.index_cast %mul3A_156 : i32 to index
          %parallel_loop3A_217 = tpu.vector_load %arg5[%parallel_loop3A_215, %parallel_loop3A_216] {strides = array<i32>} : memref<128x256xf32, #tpu.memory_space<vmem>>, vector<1x16xf32>,
          %parallel_loop3A_218 = vector.shape_cast %parallel_loop3A_217 : vector<1x16xf32> to vector<16xf32>
          %parallel_loop3A_219 = arith.constant 2 : i32
          %parallel_loop3A_220 = arith.addi %parallel_loop3A_202, %parallel_loop3A_219 : i32
          %parallel_loop3A_221 = arith.index_cast %parallel_loop3A_220 : i32 to index
          %parallel_loop3A_222 = arith.index_cast %mul3A_156 : i32 to index
          %parallel_loop3A_223 = tpu.vector_load %arg5[%parallel_loop3A_221, %parallel_loop3A_222] {strides = array<i32>} : memref<128x256xf32, #tpu.memory_space<vmem>>, vector<1x16xf32>,
          %parallel_loop3A_224 = vector.shape_cast %parallel_loop3A_223 : vector<1x16xf32> to vector<16xf32>
          %parallel_loop3A_225 = arith.constant 3 : i32
          %parallel_loop3A_226 = arith.addi %parallel_loop3A_202, %parallel_loop3A_225 : i32
          %parallel_loop3A_227 = arith.index_cast %parallel_loop3A_226 : i32 to index
          %parallel_loop3A_228 = arith.index_cast %mul3A_156 : i32 to index
          %parallel_loop3A_229 = tpu.vector_load %arg5[%parallel_loop3A_227, %parallel_loop3A_228] {strides = array<i32>} : memref<128x256xf32, #tpu.memory_space<vmem>>, vector<1x16xf32>,
          %parallel_loop3A_230 = vector.shape_cast %parallel_loop3A_229 : vector<1x16xf32> to vector<16xf32>
          %parallel_loop3A_231 = arith.constant 4 : i32
          %parallel_loop3A_232 = arith.addi %parallel_loop3A_202, %parallel_loop3A_231 : i32
          %parallel_loop3A_233 = arith.index_cast %parallel_loop3A_232 : i32 to index
          %parallel_loop3A_234 = arith.index_cast %mul3A_156 : i32 to index
          %parallel_loop3A_235 = tpu.vector_load %arg5[%parallel_loop3A_233, %parallel_loop3A_234] {strides = array<i32>} : memref<128x256xf32, #tpu.memory_space<vmem>>, vector<1x16xf32>,
          %parallel_loop3A_236 = vector.shape_cast %parallel_loop3A_235 : vector<1x16xf32> to vector<16xf32>
          %parallel_loop3A_237 = arith.constant 5 : i32
          %parallel_loop3A_238 = arith.addi %parallel_loop3A_202, %parallel_loop3A_237 : i32
          %parallel_loop3A_239 = arith.index_cast %parallel_loop3A_238 : i32 to index
          %parallel_loop3A_240 = arith.index_cast %mul3A_156 : i32 to index
          %parallel_loop3A_241 = tpu.vector_load %arg5[%parallel_loop3A_239, %parallel_loop3A_240] {strides = array<i32>} : memref<128x256xf32, #tpu.memory_space<vmem>>, vector<1x16xf32>,
          %parallel_loop3A_242 = vector.shape_cast %parallel_loop3A_241 : vector<1x16xf32> to vector<16xf32>
          %parallel_loop3A_243 = arith.constant 6 : i32
          %parallel_loop3A_244 = arith.addi %parallel_loop3A_202, %parallel_loop3A_243 : i32
          %parallel_loop3A_245 = arith.index_cast %parallel_loop3A_244 : i32 to index
          %parallel_loop3A_246 = arith.index_cast %mul3A_156 : i32 to index
          %parallel_loop3A_247 = tpu.vector_load %arg5[%parallel_loop3A_245, %parallel_loop3A_246] {strides = array<i32>} : memref<128x256xf32, #tpu.memory_space<vmem>>, vector<1x16xf32>,
          %parallel_loop3A_248 = vector.shape_cast %parallel_loop3A_247 : vector<1x16xf32> to vector<16xf32>
          %parallel_loop3A_249 = arith.constant 7 : i32
          %parallel_loop3A_250 = arith.addi %parallel_loop3A_202, %parallel_loop3A_249 : i32
          %parallel_loop3A_251 = arith.index_cast %parallel_loop3A_250 : i32 to index
          %parallel_loop3A_252 = arith.index_cast %mul3A_156 : i32 to index
          %parallel_loop3A_253 = tpu.vector_load %arg5[%parallel_loop3A_251, %parallel_loop3A_252] {strides = array<i32>} : memref<128x256xf32, #tpu.memory_space<vmem>>, vector<1x16xf32>,
          %parallel_loop3A_254 = vector.shape_cast %parallel_loop3A_253 : vector<1x16xf32> to vector<16xf32>
          %parallel_loop3A_255 = arith.maximumf %parallel_loop3A_212, %parallel_loop3A_218 : vector<16xf32>
          %parallel_loop3A_256 = arith.maximumf %parallel_loop3A_224, %parallel_loop3A_230 : vector<16xf32>
          %parallel_loop3A_257 = arith.maximumf %parallel_loop3A_236, %parallel_loop3A_242 : vector<16xf32>
          %parallel_loop3A_258 = arith.maximumf %parallel_loop3A_248, %parallel_loop3A_254 : vector<16xf32>
          %parallel_loop3A_259 = arith.maximumf %parallel_loop3A_255, %parallel_loop3A_256 : vector<16xf32>
          %parallel_loop3A_260 = arith.maximumf %parallel_loop3A_257, %parallel_loop3A_258 : vector<16xf32>
          %parallel_loop3A_261 = arith.maximumf %parallel_loop3A_259, %parallel_loop3A_260 : vector<16xf32>
          %parallel_loop3A_262 = arith.maximumf %parallel_loop3A_203, %parallel_loop3A_261 : vector<16xf32>
          %parallel_loop3A_263 = arith.minimumf %parallel_loop3A_212, %parallel_loop3A_218 : vector<16xf32>
          %parallel_loop3A_264 = arith.minimumf %parallel_loop3A_224, %parallel_loop3A_230 : vector<16xf32>
          %parallel_loop3A_265 = arith.minimumf %parallel_loop3A_236, %parallel_loop3A_242 : vector<16xf32>
          %parallel_loop3A_266 = arith.minimumf %parallel_loop3A_248, %parallel_loop3A_254 : vector<16xf32>
          %parallel_loop3A_267 = arith.minimumf %parallel_loop3A_263, %parallel_loop3A_264 : vector<16xf32>
          %parallel_loop3A_268 = arith.minimumf %parallel_loop3A_265, %parallel_loop3A_266 : vector<16xf32>
          %parallel_loop3A_269 = arith.minimumf %parallel_loop3A_267, %parallel_loop3A_268 : vector<16xf32>
          %parallel_loop3A_270 = arith.minimumf %parallel_loop3A_204, %parallel_loop3A_269 : vector<16xf32>
          %parallel_loop3A_271 = arith.addf %parallel_loop3A_212, %parallel_loop3A_218 : vector<16xf32>
          %parallel_loop3A_272 = arith.addf %parallel_loop3A_224, %parallel_loop3A_230 : vector<16xf32>
          %parallel_loop3A_273 = arith.addf %parallel_loop3A_236, %parallel_loop3A_242 : vector<16xf32>
          %parallel_loop3A_274 = arith.addf %parallel_loop3A_248, %parallel_loop3A_254 : vector<16xf32>
          %parallel_loop3A_275 = arith.addf %parallel_loop3A_271, %parallel_loop3A_272 : vector<16xf32>
          %parallel_loop3A_276 = arith.addf %parallel_loop3A_273, %parallel_loop3A_274 : vector<16xf32>
          %parallel_loop3A_277 = arith.addf %parallel_loop3A_275, %parallel_loop3A_276 : vector<16xf32>
          %parallel_loop3A_278 = arith.addf %parallel_loop3A_205, %parallel_loop3A_277 : vector<16xf32>
          %parallel_loop3A_279 = arith.mulf %parallel_loop3A_212, %parallel_loop3A_212 : vector<16xf32>
          %parallel_loop3A_280 = arith.mulf %parallel_loop3A_218, %parallel_loop3A_218 : vector<16xf32>
          %parallel_loop3A_281 = arith.mulf %parallel_loop3A_224, %parallel_loop3A_224 : vector<16xf32>
          %parallel_loop3A_282 = arith.mulf %parallel_loop3A_230, %parallel_loop3A_230 : vector<16xf32>
          %parallel_loop3A_283 = arith.mulf %parallel_loop3A_236, %parallel_loop3A_236 : vector<16xf32>
          %parallel_loop3A_284 = arith.mulf %parallel_loop3A_242, %parallel_loop3A_242 : vector<16xf32>
          %parallel_loop3A_285 = arith.mulf %parallel_loop3A_248, %parallel_loop3A_248 : vector<16xf32>
          %parallel_loop3A_286 = arith.mulf %parallel_loop3A_254, %parallel_loop3A_254 : vector<16xf32>
          %parallel_loop3A_287 = arith.addf %parallel_loop3A_279, %parallel_loop3A_280 : vector<16xf32>
          %parallel_loop3A_288 = arith.addf %parallel_loop3A_281, %parallel_loop3A_282 : vector<16xf32>
          %parallel_loop3A_289 = arith.addf %parallel_loop3A_283, %parallel_loop3A_284 : vector<16xf32>
          %parallel_loop3A_290 = arith.addf %parallel_loop3A_285, %parallel_loop3A_286 : vector<16xf32>
          %parallel_loop3A_291 = arith.addf %parallel_loop3A_287, %parallel_loop3A_288 : vector<16xf32>
          %parallel_loop3A_292 = arith.addf %parallel_loop3A_289, %parallel_loop3A_290 : vector<16xf32>
          %parallel_loop3A_293 = arith.addf %parallel_loop3A_291, %parallel_loop3A_292 : vector<16xf32>
          %parallel_loop3A_294 = arith.addf %parallel_loop3A_206, %parallel_loop3A_293 : vector<16xf32>
          scf.yield %parallel_loop3A_262, %parallel_loop3A_270, %parallel_loop3A_278, %parallel_loop3A_294 : vector<16xf32>, vector<16xf32>, vector<16xf32>, vector<16xf32>
        } {sc.loop_unroll_factor = 1 : i64, sc.parallel_access}
        %swap3A = arith.constant 0 : i32
        %swap3A_179 = arith.index_cast %swap3A : i32 to index
        %swap3A_180 = arith.index_cast %mul3A_156 : i32 to index
        %swap3A_181 = tpu.vector_load %arg6[%swap3A_179, %swap3A_180] {strides = array<i32>} : memref<4x256xf32, #tpu.memory_space<vmem>>, vector<1x16xf32>,
        %swap3A_182 = vector.shape_cast %swap3A_181 : vector<1x16xf32> to vector<16xf32>
        %swap3A_183 = vector.shape_cast %parallel_loop3A_178#0 : vector<16xf32> to vector<1x16xf32>
        tpu.vector_store %arg6[%swap3A_179, %swap3A_180], %swap3A_183 {strides = array<i32>} : memref<4x256xf32, #tpu.memory_space<vmem>>, vector<1x16xf32>,
        %swap3A_184 = arith.constant 1 : i32
        %swap3A_185 = arith.index_cast %swap3A_184 : i32 to index
        %swap3A_186 = arith.index_cast %mul3A_156 : i32 to index
        %swap3A_187 = tpu.vector_load %arg6[%swap3A_185, %swap3A_186] {strides = array<i32>} : memref<4x256xf32, #tpu.memory_space<vmem>>, vector<1x16xf32>,
        %swap3A_188 = vector.shape_cast %swap3A_187 : vector<1x16xf32> to vector<16xf32>
        %swap3A_189 = vector.shape_cast %parallel_loop3A_178#1 : vector<16xf32> to vector<1x16xf32>
        tpu.vector_store %arg6[%swap3A_185, %swap3A_186], %swap3A_189 {strides = array<i32>} : memref<4x256xf32, #tpu.memory_space<vmem>>, vector<1x16xf32>,
        %swap3A_190 = arith.constant 2 : i32
        %swap3A_191 = arith.index_cast %swap3A_190 : i32 to index
        %swap3A_192 = arith.index_cast %mul3A_156 : i32 to index
        %swap3A_193 = tpu.vector_load %arg6[%swap3A_191, %swap3A_192] {strides = array<i32>} : memref<4x256xf32, #tpu.memory_space<vmem>>, vector<1x16xf32>,
        %swap3A_194 = vector.shape_cast %swap3A_193 : vector<1x16xf32> to vector<16xf32>
        %swap3A_195 = vector.shape_cast %parallel_loop3A_178#2 : vector<16xf32> to vector<1x16xf32>
        tpu.vector_store %arg6[%swap3A_191, %swap3A_192], %swap3A_195 {strides = array<i32>} : memref<4x256xf32, #tpu.memory_space<vmem>>, vector<1x16xf32>,
        %swap3A_196 = arith.constant 3 : i32
        %swap3A_197 = arith.index_cast %swap3A_196 : i32 to index
        %swap3A_198 = arith.index_cast %mul3A_156 : i32 to index
        %swap3A_199 = tpu.vector_load %arg6[%swap3A_197, %swap3A_198] {strides = array<i32>} : memref<4x256xf32, #tpu.memory_space<vmem>>, vector<1x16xf32>,
        %swap3A_200 = vector.shape_cast %swap3A_199 : vector<1x16xf32> to vector<16xf32>
        %swap3A_201 = vector.shape_cast %parallel_loop3A_178#3 : vector<16xf32> to vector<1x16xf32>
        tpu.vector_store %arg6[%swap3A_197, %swap3A_198], %swap3A_201 {strides = array<i32>} : memref<4x256xf32, #tpu.memory_space<vmem>>, vector<1x16xf32>,
      }
      %scan3A_146 = arith.constant 16 : i32
      %add3A_147 = arith.constant 3 : i32
      %add3A_148 = arith.addi %mul3A_108, %add3A_147 : i32
      %lt3A_149 = arith.constant 8 : i32
      %lt3A_150 = arith.cmpi slt, %add3A_148, %lt3A_149 : i32
      %convert_element_type3A_151 = arith.extui %lt3A_150 : i1 to i32
      %cond3A_152 = arith.constant 0 : i32
      %cond3A_153 = arith.cmpi ne, %convert_element_type3A_151, %cond3A_152 : i32
      scf.if %cond3A_153 {
        %add3A_154 = arith.constant 3 : i32
        %add3A_155 = arith.addi %mul3A_108, %add3A_154 : i32
        %mul3A_156 = arith.constant 128 : i32
        %mul3A_157 = arith.muli %add3A_155, %mul3A_156 : i32
        %add3A_158 = arith.addi %mul3A_32, %mul3A_157 : i32
        %dma_start3A_159 = arith.constant 0 : i32
        %dma_start3A_160 = tpu.memref_slice %arg2[%add3A, %add3A_158, %dma_start3A_159] : memref<16x4096x256xf32, #tpu.memory_space<hbm>> -> memref<1x128x256xf32, #tpu.memory_space<hbm>>
        %dma_start3A_161 = tpu.memref_squeeze %dma_start3A_160 : memref<1x128x256xf32, #tpu.memory_space<hbm>> -> memref<128x256xf32, #tpu.memory_space<hbm>>
        %dma_start3A_162 = arith.constant 0 : i32
        %dma_start3A_163 = tpu.memref_slice %arg2[%add3A, %add3A_158, %dma_start3A_162] : memref<16x4096x256xf32, #tpu.memory_space<hbm>> -> memref<1x128x256xf32, #tpu.memory_space<hbm>>
        %dma_start3A_164 = tpu.memref_squeeze %dma_start3A_163 : memref<1x128x256xf32, #tpu.memory_space<hbm>> -> memref<128x256xf32, #tpu.memory_space<hbm>>
        tpu.enqueue_dma source(%dma_start3A_164 : memref<128x256xf32, #tpu.memory_space<hbm>>) target(%arg5 : memref<128x256xf32, #tpu.memory_space<vmem>>) target_semaphore(%arg10 : memref<!tpu.dma_semaphore, #tpu.memory_space<semaphore_mem>>)
      } else {
      }
    }
    %scan3A_58 = arith.constant 4 : i32
    "tpu.region"() ({
      %run_scoped3A = tpu.sem_alloc : memref<!tpu.dma_semaphore, #tpu.memory_space<semaphore_mem>>
      %dma_start3A_106 = arith.constant 0 : i32
      %dma_start3A_107 = arith.constant 0 : i32
      %dma_start3A_108 = tpu.memref_slice %arg8[%arg1, %dma_start3A_106, %dma_start3A_107] : memref<16x4x256xf32, #tpu.memory_space<vmem_shared>> -> memref<1x4x256xf32, #tpu.memory_space<vmem_shared>>
      %dma_start3A_109 = tpu.memref_squeeze %dma_start3A_108 : memref<1x4x256xf32, #tpu.memory_space<vmem_shared>> -> memref<4x256xf32, #tpu.memory_space<vmem_shared>>
      %dma_start3A_110 = arith.constant 0 : i32
      %dma_start3A_111 = arith.constant 0 : i32
      %dma_start3A_112 = tpu.memref_slice %arg8[%arg1, %dma_start3A_110, %dma_start3A_111] : memref<16x4x256xf32, #tpu.memory_space<vmem_shared>> -> memref<1x4x256xf32, #tpu.memory_space<vmem_shared>>
      %dma_start3A_113 = tpu.memref_squeeze %dma_start3A_112 : memref<1x4x256xf32, #tpu.memory_space<vmem_shared>> -> memref<4x256xf32, #tpu.memory_space<vmem_shared>>
      tpu.enqueue_dma source(%arg6 : memref<4x256xf32, #tpu.memory_space<vmem>>) target(%dma_start3A_113 : memref<4x256xf32, #tpu.memory_space<vmem_shared>>) target_semaphore(%run_scoped3A : memref<!tpu.dma_semaphore, #tpu.memory_space<semaphore_mem>>)
      %dma_wait3A = arith.constant 0 : i32
      %dma_wait3A_114 = arith.constant 0 : i32
      %dma_wait3A_115 = tpu.memref_slice %arg8[%arg1, %dma_wait3A, %dma_wait3A_114] : memref<16x4x256xf32, #tpu.memory_space<vmem_shared>> -> memref<1x4x256xf32, #tpu.memory_space<vmem_shared>>
      %dma_wait3A_116 = tpu.memref_squeeze %dma_wait3A_115 : memref<1x4x256xf32, #tpu.memory_space<vmem_shared>> -> memref<4x256xf32, #tpu.memory_space<vmem_shared>>
      %dma_wait3A_117 = arith.constant 0 : i32
      %dma_wait3A_118 = arith.constant 0 : i32
      %dma_wait3A_119 = tpu.memref_slice %arg8[%arg1, %dma_wait3A_117, %dma_wait3A_118] : memref<16x4x256xf32, #tpu.memory_space<vmem_shared>> -> memref<1x4x256xf32, #tpu.memory_space<vmem_shared>>
      %dma_wait3A_120 = tpu.memref_squeeze %dma_wait3A_119 : memref<1x4x256xf32, #tpu.memory_space<vmem_shared>> -> memref<4x256xf32, #tpu.memory_space<vmem_shared>>
      tpu.wait_dma2 semaphore(%run_scoped3A : memref<!tpu.dma_semaphore, #tpu.memory_space<semaphore_mem>>) src(%arg6 : memref<4x256xf32, #tpu.memory_space<vmem>>) dst(%dma_wait3A_120 : memref<4x256xf32, #tpu.memory_space<vmem_shared>>)
      tpu.yield
    }) : () -> ()
    %barrier3A = arith.constant 0 : index
    tpu.barrier barrier_id(%barrier3A)
    %jit3A_59 = arith.constant 2 : i32
    %eq3A_60 = arith.constant 0 : i32
    %eq3A_61 = arith.cmpi eq, %jit3A_59, %eq3A_60 : i32
    %jit3A_62 = arith.constant 1 : i32
    %select_n3A_63 = arith.select %eq3A_61, %jit3A_62, %jit3A_59 : i32
    %rem3A_64 = arith.remsi %select_n3A_30, %select_n3A_63 : i32
    %ne3A_65 = arith.constant 0 : i32
    %ne3A_66 = arith.cmpi ne, %rem3A_64, %ne3A_65 : i32
    %lt3A_67 = arith.constant 0 : i32
    %lt3A_68 = arith.cmpi slt, %rem3A_64, %lt3A_67 : i32
    %lt3A_69 = arith.constant 0 : i32
    %lt3A_70 = arith.cmpi slt, %select_n3A_63, %lt3A_69 : i32
    %ne3A_71 = arith.xori %lt3A_68, %lt3A_70 : i1
    %and3A_72 = arith.andi %ne3A_71, %ne3A_66 : i1
    %add3A_73 = arith.addi %rem3A_64, %select_n3A_63 : i32
    %select_n3A_74 = arith.select %and3A_72, %add3A_73, %rem3A_64 : i32
    %eq3A_75 = arith.constant 0 : i32
    %eq3A_76 = arith.cmpi eq, %select_n3A_74, %eq3A_75 : i32
    %convert_element_type3A = arith.extui %eq3A_76 : i1 to i32
    %cond3A = arith.constant 0 : i32
    %cond3A_77 = arith.cmpi ne, %convert_element_type3A, %cond3A : i32
    scf.if %cond3A_77 {
      %add3A_106 = arith.constant 1 : i32
      %add3A_107 = arith.addi %arg1, %add3A_106 : i32
      "tpu.region"() ({
        %run_scoped3A = tpu.sem_alloc : memref<!tpu.dma_semaphore, #tpu.memory_space<semaphore_mem>>
        %dma_start3A_114 = arith.constant 0 : i32
        %dma_start3A_115 = arith.constant 0 : i32
        %dma_start3A_116 = tpu.memref_slice %arg8[%add3A_107, %dma_start3A_114, %dma_start3A_115] : memref<16x4x256xf32, #tpu.memory_space<vmem_shared>> -> memref<1x4x256xf32, #tpu.memory_space<vmem_shared>>
        %dma_start3A_117 = tpu.memref_squeeze %dma_start3A_116 : memref<1x4x256xf32, #tpu.memory_space<vmem_shared>> -> memref<4x256xf32, #tpu.memory_space<vmem_shared>>
        %dma_start3A_118 = arith.constant 0 : i32
        %dma_start3A_119 = arith.constant 0 : i32
        %dma_start3A_120 = tpu.memref_slice %arg8[%add3A_107, %dma_start3A_118, %dma_start3A_119] : memref<16x4x256xf32, #tpu.memory_space<vmem_shared>> -> memref<1x4x256xf32, #tpu.memory_space<vmem_shared>>
        %dma_start3A_121 = tpu.memref_squeeze %dma_start3A_120 : memref<1x4x256xf32, #tpu.memory_space<vmem_shared>> -> memref<4x256xf32, #tpu.memory_space<vmem_shared>>
        tpu.enqueue_dma source(%dma_start3A_121 : memref<4x256xf32, #tpu.memory_space<vmem_shared>>) target(%arg7 : memref<4x256xf32, #tpu.memory_space<vmem>>) target_semaphore(%run_scoped3A : memref<!tpu.dma_semaphore, #tpu.memory_space<semaphore_mem>>)
        %dma_wait3A = arith.constant 0 : i32
        %dma_wait3A_122 = arith.constant 0 : i32
        %dma_wait3A_123 = tpu.memref_slice %arg8[%add3A_107, %dma_wait3A, %dma_wait3A_122] : memref<16x4x256xf32, #tpu.memory_space<vmem_shared>> -> memref<1x4x256xf32, #tpu.memory_space<vmem_shared>>
        %dma_wait3A_124 = tpu.memref_squeeze %dma_wait3A_123 : memref<1x4x256xf32, #tpu.memory_space<vmem_shared>> -> memref<4x256xf32, #tpu.memory_space<vmem_shared>>
        %dma_wait3A_125 = arith.constant 0 : i32
        %dma_wait3A_126 = arith.constant 0 : i32
        %dma_wait3A_127 = tpu.memref_slice %arg8[%add3A_107, %dma_wait3A_125, %dma_wait3A_126] : memref<16x4x256xf32, #tpu.memory_space<vmem_shared>> -> memref<1x4x256xf32, #tpu.memory_space<vmem_shared>>
        %dma_wait3A_128 = tpu.memref_squeeze %dma_wait3A_127 : memref<1x4x256xf32, #tpu.memory_space<vmem_shared>> -> memref<4x256xf32, #tpu.memory_space<vmem_shared>>
        tpu.wait_dma2 semaphore(%run_scoped3A : memref<!tpu.dma_semaphore, #tpu.memory_space<semaphore_mem>>) src(%dma_wait3A_128 : memref<4x256xf32, #tpu.memory_space<vmem_shared>>) dst(%arg7 : memref<4x256xf32, #tpu.memory_space<vmem>>)
        tpu.yield
      }) : () -> ()
      %scan3A_108 = arith.constant 0 : i32
      %scan3A_109 = arith.constant 0 : i32
      %scan3A_110 = arith.constant 16 : i32
      %scan3A_111 = arith.addi %scan3A_109, %scan3A_110 : i32
      %scan3A_112 = arith.constant 1 : i32
      scf.for %scan3A_114 = %scan3A_109 to %scan3A_111 step %scan3A_112  : i32 {
        %mul3A_115 = arith.constant 16 : i32
        %mul3A_116 = arith.muli %scan3A_114, %mul3A_115 : i32
        %get3A = arith.constant 0 : i32
        %get3A_117 = arith.index_cast %get3A : i32 to index
        %get3A_118 = arith.index_cast %mul3A_116 : i32 to index
        %get3A_119 = tpu.vector_load %arg6[%get3A_117, %get3A_118] {strides = array<i32>} : memref<4x256xf32, #tpu.memory_space<vmem>>, vector<1x16xf32>,
        %get3A_120 = vector.shape_cast %get3A_119 : vector<1x16xf32> to vector<16xf32>
        %get3A_121 = arith.constant 0 : i32
        %get3A_122 = arith.index_cast %get3A_121 : i32 to index
        %get3A_123 = arith.index_cast %mul3A_116 : i32 to index
        %get3A_124 = tpu.vector_load %arg7[%get3A_122, %get3A_123] {strides = array<i32>} : memref<4x256xf32, #tpu.memory_space<vmem>>, vector<1x16xf32>,
        %get3A_125 = vector.shape_cast %get3A_124 : vector<1x16xf32> to vector<16xf32>
        %max3A = arith.maximumf %get3A_120, %get3A_125 : vector<16xf32>
        %swap3A = arith.constant 0 : i32
        %swap3A_126 = arith.index_cast %swap3A : i32 to index
        %swap3A_127 = arith.index_cast %mul3A_116 : i32 to index
        %swap3A_128 = tpu.vector_load %arg6[%swap3A_126, %swap3A_127] {strides = array<i32>} : memref<4x256xf32, #tpu.memory_space<vmem>>, vector<1x16xf32>,
        %swap3A_129 = vector.shape_cast %swap3A_128 : vector<1x16xf32> to vector<16xf32>
        %swap3A_130 = vector.shape_cast %max3A : vector<16xf32> to vector<1x16xf32>
        tpu.vector_store %arg6[%swap3A_126, %swap3A_127], %swap3A_130 {strides = array<i32>} : memref<4x256xf32, #tpu.memory_space<vmem>>, vector<1x16xf32>,
        %get3A_131 = arith.constant 1 : i32
        %get3A_132 = arith.index_cast %get3A_131 : i32 to index
        %get3A_133 = arith.index_cast %mul3A_116 : i32 to index
        %get3A_134 = tpu.vector_load %arg6[%get3A_132, %get3A_133] {strides = array<i32>} : memref<4x256xf32, #tpu.memory_space<vmem>>, vector<1x16xf32>,
        %get3A_135 = vector.shape_cast %get3A_134 : vector<1x16xf32> to vector<16xf32>
        %get3A_136 = arith.constant 1 : i32
        %get3A_137 = arith.index_cast %get3A_136 : i32 to index
        %get3A_138 = arith.index_cast %mul3A_116 : i32 to index
        %get3A_139 = tpu.vector_load %arg7[%get3A_137, %get3A_138] {strides = array<i32>} : memref<4x256xf32, #tpu.memory_space<vmem>>, vector<1x16xf32>,
        %get3A_140 = vector.shape_cast %get3A_139 : vector<1x16xf32> to vector<16xf32>
        %min3A = arith.minimumf %get3A_135, %get3A_140 : vector<16xf32>
        %swap3A_141 = arith.constant 1 : i32
        %swap3A_142 = arith.index_cast %swap3A_141 : i32 to index
        %swap3A_143 = arith.index_cast %mul3A_116 : i32 to index
        %swap3A_144 = tpu.vector_load %arg6[%swap3A_142, %swap3A_143] {strides = array<i32>} : memref<4x256xf32, #tpu.memory_space<vmem>>, vector<1x16xf32>,
        %swap3A_145 = vector.shape_cast %swap3A_144 : vector<1x16xf32> to vector<16xf32>
        %swap3A_146 = vector.shape_cast %min3A : vector<16xf32> to vector<1x16xf32>
        tpu.vector_store %arg6[%swap3A_142, %swap3A_143], %swap3A_146 {strides = array<i32>} : memref<4x256xf32, #tpu.memory_space<vmem>>, vector<1x16xf32>,
        %get3A_147 = arith.constant 2 : i32
        %get3A_148 = arith.index_cast %get3A_147 : i32 to index
        %get3A_149 = arith.index_cast %mul3A_116 : i32 to index
        %get3A_150 = tpu.vector_load %arg6[%get3A_148, %get3A_149] {strides = array<i32>} : memref<4x256xf32, #tpu.memory_space<vmem>>, vector<1x16xf32>,
        %get3A_151 = vector.shape_cast %get3A_150 : vector<1x16xf32> to vector<16xf32>
        %get3A_152 = arith.constant 2 : i32
        %get3A_153 = arith.index_cast %get3A_152 : i32 to index
        %get3A_154 = arith.index_cast %mul3A_116 : i32 to index
        %get3A_155 = tpu.vector_load %arg7[%get3A_153, %get3A_154] {strides = array<i32>} : memref<4x256xf32, #tpu.memory_space<vmem>>, vector<1x16xf32>,
        %get3A_156 = vector.shape_cast %get3A_155 : vector<1x16xf32> to vector<16xf32>
        %add3A_157 = arith.addf %get3A_151, %get3A_156 : vector<16xf32>
        %swap3A_158 = arith.constant 2 : i32
        %swap3A_159 = arith.index_cast %swap3A_158 : i32 to index
        %swap3A_160 = arith.index_cast %mul3A_116 : i32 to index
        %swap3A_161 = tpu.vector_load %arg6[%swap3A_159, %swap3A_160] {strides = array<i32>} : memref<4x256xf32, #tpu.memory_space<vmem>>, vector<1x16xf32>,
        %swap3A_162 = vector.shape_cast %swap3A_161 : vector<1x16xf32> to vector<16xf32>
        %swap3A_163 = vector.shape_cast %add3A_157 : vector<16xf32> to vector<1x16xf32>
        tpu.vector_store %arg6[%swap3A_159, %swap3A_160], %swap3A_163 {strides = array<i32>} : memref<4x256xf32, #tpu.memory_space<vmem>>, vector<1x16xf32>,
        %get3A_164 = arith.constant 3 : i32
        %get3A_165 = arith.index_cast %get3A_164 : i32 to index
        %get3A_166 = arith.index_cast %mul3A_116 : i32 to index
        %get3A_167 = tpu.vector_load %arg6[%get3A_165, %get3A_166] {strides = array<i32>} : memref<4x256xf32, #tpu.memory_space<vmem>>, vector<1x16xf32>,
        %get3A_168 = vector.shape_cast %get3A_167 : vector<1x16xf32> to vector<16xf32>
        %get3A_169 = arith.constant 3 : i32
        %get3A_170 = arith.index_cast %get3A_169 : i32 to index
        %get3A_171 = arith.index_cast %mul3A_116 : i32 to index
        %get3A_172 = tpu.vector_load %arg7[%get3A_170, %get3A_171] {strides = array<i32>} : memref<4x256xf32, #tpu.memory_space<vmem>>, vector<1x16xf32>,
        %get3A_173 = vector.shape_cast %get3A_172 : vector<1x16xf32> to vector<16xf32>
        %add3A_174 = arith.addf %get3A_168, %get3A_173 : vector<16xf32>
        %swap3A_175 = arith.constant 3 : i32
        %swap3A_176 = arith.index_cast %swap3A_175 : i32 to index
        %swap3A_177 = arith.index_cast %mul3A_116 : i32 to index
        %swap3A_178 = tpu.vector_load %arg6[%swap3A_176, %swap3A_177] {strides = array<i32>} : memref<4x256xf32, #tpu.memory_space<vmem>>, vector<1x16xf32>,
        %swap3A_179 = vector.shape_cast %swap3A_178 : vector<1x16xf32> to vector<16xf32>
        %swap3A_180 = vector.shape_cast %add3A_174 : vector<16xf32> to vector<1x16xf32>
        tpu.vector_store %arg6[%swap3A_176, %swap3A_177], %swap3A_180 {strides = array<i32>} : memref<4x256xf32, #tpu.memory_space<vmem>>, vector<1x16xf32>,
      }
      %scan3A_113 = arith.constant 16 : i32
      "tpu.region"() ({
        %run_scoped3A = tpu.sem_alloc : memref<!tpu.dma_semaphore, #tpu.memory_space<semaphore_mem>>
        %dma_start3A_114 = arith.constant 0 : i32
        %dma_start3A_115 = arith.constant 0 : i32
        %dma_start3A_116 = tpu.memref_slice %arg8[%arg1, %dma_start3A_114, %dma_start3A_115] : memref<16x4x256xf32, #tpu.memory_space<vmem_shared>> -> memref<1x4x256xf32, #tpu.memory_space<vmem_shared>>
        %dma_start3A_117 = tpu.memref_squeeze %dma_start3A_116 : memref<1x4x256xf32, #tpu.memory_space<vmem_shared>> -> memref<4x256xf32, #tpu.memory_space<vmem_shared>>
        %dma_start3A_118 = arith.constant 0 : i32
        %dma_start3A_119 = arith.constant 0 : i32
        %dma_start3A_120 = tpu.memref_slice %arg8[%arg1, %dma_start3A_118, %dma_start3A_119] : memref<16x4x256xf32, #tpu.memory_space<vmem_shared>> -> memref<1x4x256xf32, #tpu.memory_space<vmem_shared>>
        %dma_start3A_121 = tpu.memref_squeeze %dma_start3A_120 : memref<1x4x256xf32, #tpu.memory_space<vmem_shared>> -> memref<4x256xf32, #tpu.memory_space<vmem_shared>>
        tpu.enqueue_dma source(%arg6 : memref<4x256xf32, #tpu.memory_space<vmem>>) target(%dma_start3A_121 : memref<4x256xf32, #tpu.memory_space<vmem_shared>>) target_semaphore(%run_scoped3A : memref<!tpu.dma_semaphore, #tpu.memory_space<semaphore_mem>>)
        %dma_wait3A = arith.constant 0 : i32
        %dma_wait3A_122 = arith.constant 0 : i32
        %dma_wait3A_123 = tpu.memref_slice %arg8[%arg1, %dma_wait3A, %dma_wait3A_122] : memref<16x4x256xf32, #tpu.memory_space<vmem_shared>> -> memref<1x4x256xf32, #tpu.memory_space<vmem_shared>>
        %dma_wait3A_124 = tpu.memref_squeeze %dma_wait3A_123 : memref<1x4x256xf32, #tpu.memory_space<vmem_shared>> -> memref<4x256xf32, #tpu.memory_space<vmem_shared>>
        %dma_wait3A_125 = arith.constant 0 : i32
        %dma_wait3A_126 = arith.constant 0 : i32
        %dma_wait3A_127 = tpu.memref_slice %arg8[%arg1, %dma_wait3A_125, %dma_wait3A_126] : memref<16x4x256xf32, #tpu.memory_space<vmem_shared>> -> memref<1x4x256xf32, #tpu.memory_space<vmem_shared>>
        %dma_wait3A_128 = tpu.memref_squeeze %dma_wait3A_127 : memref<1x4x256xf32, #tpu.memory_space<vmem_shared>> -> memref<4x256xf32, #tpu.memory_space<vmem_shared>>
        tpu.wait_dma2 semaphore(%run_scoped3A : memref<!tpu.dma_semaphore, #tpu.memory_space<semaphore_mem>>) src(%arg6 : memref<4x256xf32, #tpu.memory_space<vmem>>) dst(%dma_wait3A_128 : memref<4x256xf32, #tpu.memory_space<vmem_shared>>)
        tpu.yield
      }) : () -> ()
    } else {
    }
    %barrier3A_78 = arith.constant 0 : index
    tpu.barrier barrier_id(%barrier3A_78)
    %jit3A_79 = arith.constant 4 : i32
    %eq3A_80 = arith.constant 0 : i32
    %eq3A_81 = arith.cmpi eq, %jit3A_79, %eq3A_80 : i32
    %jit3A_82 = arith.constant 1 : i32
    %select_n3A_83 = arith.select %eq3A_81, %jit3A_82, %jit3A_79 : i32
    %rem3A_84 = arith.remsi %select_n3A_30, %select_n3A_83 : i32
    %ne3A_85 = arith.constant 0 : i32
    %ne3A_86 = arith.cmpi ne, %rem3A_84, %ne3A_85 : i32
    %lt3A_87 = arith.constant 0 : i32
    %lt3A_88 = arith.cmpi slt, %rem3A_84, %lt3A_87 : i32
    %lt3A_89 = arith.constant 0 : i32
    %lt3A_90 = arith.cmpi slt, %select_n3A_83, %lt3A_89 : i32
    %ne3A_91 = arith.xori %lt3A_88, %lt3A_90 : i1
    %and3A_92 = arith.andi %ne3A_91, %ne3A_86 : i1
    %add3A_93 = arith.addi %rem3A_84, %select_n3A_83 : i32
    %select_n3A_94 = arith.select %and3A_92, %add3A_93, %rem3A_84 : i32
    %eq3A_95 = arith.constant 0 : i32
    %eq3A_96 = arith.cmpi eq, %select_n3A_94, %eq3A_95 : i32
    %convert_element_type3A_97 = arith.extui %eq3A_96 : i1 to i32
    %cond3A_98 = arith.constant 0 : i32
    %cond3A_99 = arith.cmpi ne, %convert_element_type3A_97, %cond3A_98 : i32
    scf.if %cond3A_99 {
      %add3A_106 = arith.constant 2 : i32
      %add3A_107 = arith.addi %arg1, %add3A_106 : i32
      "tpu.region"() ({
        %run_scoped3A = tpu.sem_alloc : memref<!tpu.dma_semaphore, #tpu.memory_space<semaphore_mem>>
        %dma_start3A_114 = arith.constant 0 : i32
        %dma_start3A_115 = arith.constant 0 : i32
        %dma_start3A_116 = tpu.memref_slice %arg8[%add3A_107, %dma_start3A_114, %dma_start3A_115] : memref<16x4x256xf32, #tpu.memory_space<vmem_shared>> -> memref<1x4x256xf32, #tpu.memory_space<vmem_shared>>
        %dma_start3A_117 = tpu.memref_squeeze %dma_start3A_116 : memref<1x4x256xf32, #tpu.memory_space<vmem_shared>> -> memref<4x256xf32, #tpu.memory_space<vmem_shared>>
        %dma_start3A_118 = arith.constant 0 : i32
        %dma_start3A_119 = arith.constant 0 : i32
        %dma_start3A_120 = tpu.memref_slice %arg8[%add3A_107, %dma_start3A_118, %dma_start3A_119] : memref<16x4x256xf32, #tpu.memory_space<vmem_shared>> -> memref<1x4x256xf32, #tpu.memory_space<vmem_shared>>
        %dma_start3A_121 = tpu.memref_squeeze %dma_start3A_120 : memref<1x4x256xf32, #tpu.memory_space<vmem_shared>> -> memref<4x256xf32, #tpu.memory_space<vmem_shared>>
        tpu.enqueue_dma source(%dma_start3A_121 : memref<4x256xf32, #tpu.memory_space<vmem_shared>>) target(%arg7 : memref<4x256xf32, #tpu.memory_space<vmem>>) target_semaphore(%run_scoped3A : memref<!tpu.dma_semaphore, #tpu.memory_space<semaphore_mem>>)
        %dma_wait3A = arith.constant 0 : i32
        %dma_wait3A_122 = arith.constant 0 : i32
        %dma_wait3A_123 = tpu.memref_slice %arg8[%add3A_107, %dma_wait3A, %dma_wait3A_122] : memref<16x4x256xf32, #tpu.memory_space<vmem_shared>> -> memref<1x4x256xf32, #tpu.memory_space<vmem_shared>>
        %dma_wait3A_124 = tpu.memref_squeeze %dma_wait3A_123 : memref<1x4x256xf32, #tpu.memory_space<vmem_shared>> -> memref<4x256xf32, #tpu.memory_space<vmem_shared>>
        %dma_wait3A_125 = arith.constant 0 : i32
        %dma_wait3A_126 = arith.constant 0 : i32
        %dma_wait3A_127 = tpu.memref_slice %arg8[%add3A_107, %dma_wait3A_125, %dma_wait3A_126] : memref<16x4x256xf32, #tpu.memory_space<vmem_shared>> -> memref<1x4x256xf32, #tpu.memory_space<vmem_shared>>
        %dma_wait3A_128 = tpu.memref_squeeze %dma_wait3A_127 : memref<1x4x256xf32, #tpu.memory_space<vmem_shared>> -> memref<4x256xf32, #tpu.memory_space<vmem_shared>>
        tpu.wait_dma2 semaphore(%run_scoped3A : memref<!tpu.dma_semaphore, #tpu.memory_space<semaphore_mem>>) src(%dma_wait3A_128 : memref<4x256xf32, #tpu.memory_space<vmem_shared>>) dst(%arg7 : memref<4x256xf32, #tpu.memory_space<vmem>>)
        tpu.yield
      }) : () -> ()
      %scan3A_108 = arith.constant 0 : i32
      %scan3A_109 = arith.constant 0 : i32
      %scan3A_110 = arith.constant 16 : i32
      %scan3A_111 = arith.addi %scan3A_109, %scan3A_110 : i32
      %scan3A_112 = arith.constant 1 : i32
      scf.for %scan3A_114 = %scan3A_109 to %scan3A_111 step %scan3A_112  : i32 {
        %mul3A_115 = arith.constant 16 : i32
        %mul3A_116 = arith.muli %scan3A_114, %mul3A_115 : i32
        %get3A = arith.constant 0 : i32
        %get3A_117 = arith.index_cast %get3A : i32 to index
        %get3A_118 = arith.index_cast %mul3A_116 : i32 to index
        %get3A_119 = tpu.vector_load %arg6[%get3A_117, %get3A_118] {strides = array<i32>} : memref<4x256xf32, #tpu.memory_space<vmem>>, vector<1x16xf32>,
        %get3A_120 = vector.shape_cast %get3A_119 : vector<1x16xf32> to vector<16xf32>
        %get3A_121 = arith.constant 0 : i32
        %get3A_122 = arith.index_cast %get3A_121 : i32 to index
        %get3A_123 = arith.index_cast %mul3A_116 : i32 to index
        %get3A_124 = tpu.vector_load %arg7[%get3A_122, %get3A_123] {strides = array<i32>} : memref<4x256xf32, #tpu.memory_space<vmem>>, vector<1x16xf32>,
        %get3A_125 = vector.shape_cast %get3A_124 : vector<1x16xf32> to vector<16xf32>
        %max3A = arith.maximumf %get3A_120, %get3A_125 : vector<16xf32>
        %swap3A = arith.constant 0 : i32
        %swap3A_126 = arith.index_cast %swap3A : i32 to index
        %swap3A_127 = arith.index_cast %mul3A_116 : i32 to index
        %swap3A_128 = tpu.vector_load %arg6[%swap3A_126, %swap3A_127] {strides = array<i32>} : memref<4x256xf32, #tpu.memory_space<vmem>>, vector<1x16xf32>,
        %swap3A_129 = vector.shape_cast %swap3A_128 : vector<1x16xf32> to vector<16xf32>
        %swap3A_130 = vector.shape_cast %max3A : vector<16xf32> to vector<1x16xf32>
        tpu.vector_store %arg6[%swap3A_126, %swap3A_127], %swap3A_130 {strides = array<i32>} : memref<4x256xf32, #tpu.memory_space<vmem>>, vector<1x16xf32>,
        %get3A_131 = arith.constant 1 : i32
        %get3A_132 = arith.index_cast %get3A_131 : i32 to index
        %get3A_133 = arith.index_cast %mul3A_116 : i32 to index
        %get3A_134 = tpu.vector_load %arg6[%get3A_132, %get3A_133] {strides = array<i32>} : memref<4x256xf32, #tpu.memory_space<vmem>>, vector<1x16xf32>,
        %get3A_135 = vector.shape_cast %get3A_134 : vector<1x16xf32> to vector<16xf32>
        %get3A_136 = arith.constant 1 : i32
        %get3A_137 = arith.index_cast %get3A_136 : i32 to index
        %get3A_138 = arith.index_cast %mul3A_116 : i32 to index
        %get3A_139 = tpu.vector_load %arg7[%get3A_137, %get3A_138] {strides = array<i32>} : memref<4x256xf32, #tpu.memory_space<vmem>>, vector<1x16xf32>,
        %get3A_140 = vector.shape_cast %get3A_139 : vector<1x16xf32> to vector<16xf32>
        %min3A = arith.minimumf %get3A_135, %get3A_140 : vector<16xf32>
        %swap3A_141 = arith.constant 1 : i32
        %swap3A_142 = arith.index_cast %swap3A_141 : i32 to index
        %swap3A_143 = arith.index_cast %mul3A_116 : i32 to index
        %swap3A_144 = tpu.vector_load %arg6[%swap3A_142, %swap3A_143] {strides = array<i32>} : memref<4x256xf32, #tpu.memory_space<vmem>>, vector<1x16xf32>,
        %swap3A_145 = vector.shape_cast %swap3A_144 : vector<1x16xf32> to vector<16xf32>
        %swap3A_146 = vector.shape_cast %min3A : vector<16xf32> to vector<1x16xf32>
        tpu.vector_store %arg6[%swap3A_142, %swap3A_143], %swap3A_146 {strides = array<i32>} : memref<4x256xf32, #tpu.memory_space<vmem>>, vector<1x16xf32>,
        %get3A_147 = arith.constant 2 : i32
        %get3A_148 = arith.index_cast %get3A_147 : i32 to index
        %get3A_149 = arith.index_cast %mul3A_116 : i32 to index
        %get3A_150 = tpu.vector_load %arg6[%get3A_148, %get3A_149] {strides = array<i32>} : memref<4x256xf32, #tpu.memory_space<vmem>>, vector<1x16xf32>,
        %get3A_151 = vector.shape_cast %get3A_150 : vector<1x16xf32> to vector<16xf32>
        %get3A_152 = arith.constant 2 : i32
        %get3A_153 = arith.index_cast %get3A_152 : i32 to index
        %get3A_154 = arith.index_cast %mul3A_116 : i32 to index
        %get3A_155 = tpu.vector_load %arg7[%get3A_153, %get3A_154] {strides = array<i32>} : memref<4x256xf32, #tpu.memory_space<vmem>>, vector<1x16xf32>,
        %get3A_156 = vector.shape_cast %get3A_155 : vector<1x16xf32> to vector<16xf32>
        %add3A_157 = arith.addf %get3A_151, %get3A_156 : vector<16xf32>
        %swap3A_158 = arith.constant 2 : i32
        %swap3A_159 = arith.index_cast %swap3A_158 : i32 to index
        %swap3A_160 = arith.index_cast %mul3A_116 : i32 to index
        %swap3A_161 = tpu.vector_load %arg6[%swap3A_159, %swap3A_160] {strides = array<i32>} : memref<4x256xf32, #tpu.memory_space<vmem>>, vector<1x16xf32>,
        %swap3A_162 = vector.shape_cast %swap3A_161 : vector<1x16xf32> to vector<16xf32>
        %swap3A_163 = vector.shape_cast %add3A_157 : vector<16xf32> to vector<1x16xf32>
        tpu.vector_store %arg6[%swap3A_159, %swap3A_160], %swap3A_163 {strides = array<i32>} : memref<4x256xf32, #tpu.memory_space<vmem>>, vector<1x16xf32>,
        %get3A_164 = arith.constant 3 : i32
        %get3A_165 = arith.index_cast %get3A_164 : i32 to index
        %get3A_166 = arith.index_cast %mul3A_116 : i32 to index
        %get3A_167 = tpu.vector_load %arg6[%get3A_165, %get3A_166] {strides = array<i32>} : memref<4x256xf32, #tpu.memory_space<vmem>>, vector<1x16xf32>,
        %get3A_168 = vector.shape_cast %get3A_167 : vector<1x16xf32> to vector<16xf32>
        %get3A_169 = arith.constant 3 : i32
        %get3A_170 = arith.index_cast %get3A_169 : i32 to index
        %get3A_171 = arith.index_cast %mul3A_116 : i32 to index
        %get3A_172 = tpu.vector_load %arg7[%get3A_170, %get3A_171] {strides = array<i32>} : memref<4x256xf32, #tpu.memory_space<vmem>>, vector<1x16xf32>,
        %get3A_173 = vector.shape_cast %get3A_172 : vector<1x16xf32> to vector<16xf32>
        %add3A_174 = arith.addf %get3A_168, %get3A_173 : vector<16xf32>
        %swap3A_175 = arith.constant 3 : i32
        %swap3A_176 = arith.index_cast %swap3A_175 : i32 to index
        %swap3A_177 = arith.index_cast %mul3A_116 : i32 to index
        %swap3A_178 = tpu.vector_load %arg6[%swap3A_176, %swap3A_177] {strides = array<i32>} : memref<4x256xf32, #tpu.memory_space<vmem>>, vector<1x16xf32>,
        %swap3A_179 = vector.shape_cast %swap3A_178 : vector<1x16xf32> to vector<16xf32>
        %swap3A_180 = vector.shape_cast %add3A_174 : vector<16xf32> to vector<1x16xf32>
        tpu.vector_store %arg6[%swap3A_176, %swap3A_177], %swap3A_180 {strides = array<i32>} : memref<4x256xf32, #tpu.memory_space<vmem>>, vector<1x16xf32>,
      }
      %scan3A_113 = arith.constant 16 : i32
      "tpu.region"() ({
        %run_scoped3A = tpu.sem_alloc : memref<!tpu.dma_semaphore, #tpu.memory_space<semaphore_mem>>
        %dma_start3A_114 = arith.constant 0 : i32
        %dma_start3A_115 = arith.constant 0 : i32
        %dma_start3A_116 = tpu.memref_slice %arg8[%arg1, %dma_start3A_114, %dma_start3A_115] : memref<16x4x256xf32, #tpu.memory_space<vmem_shared>> -> memref<1x4x256xf32, #tpu.memory_space<vmem_shared>>
        %dma_start3A_117 = tpu.memref_squeeze %dma_start3A_116 : memref<1x4x256xf32, #tpu.memory_space<vmem_shared>> -> memref<4x256xf32, #tpu.memory_space<vmem_shared>>
        %dma_start3A_118 = arith.constant 0 : i32
        %dma_start3A_119 = arith.constant 0 : i32
        %dma_start3A_120 = tpu.memref_slice %arg8[%arg1, %dma_start3A_118, %dma_start3A_119] : memref<16x4x256xf32, #tpu.memory_space<vmem_shared>> -> memref<1x4x256xf32, #tpu.memory_space<vmem_shared>>
        %dma_start3A_121 = tpu.memref_squeeze %dma_start3A_120 : memref<1x4x256xf32, #tpu.memory_space<vmem_shared>> -> memref<4x256xf32, #tpu.memory_space<vmem_shared>>
        tpu.enqueue_dma source(%arg6 : memref<4x256xf32, #tpu.memory_space<vmem>>) target(%dma_start3A_121 : memref<4x256xf32, #tpu.memory_space<vmem_shared>>) target_semaphore(%run_scoped3A : memref<!tpu.dma_semaphore, #tpu.memory_space<semaphore_mem>>)
        %dma_wait3A = arith.constant 0 : i32
        %dma_wait3A_122 = arith.constant 0 : i32
        %dma_wait3A_123 = tpu.memref_slice %arg8[%arg1, %dma_wait3A, %dma_wait3A_122] : memref<16x4x256xf32, #tpu.memory_space<vmem_shared>> -> memref<1x4x256xf32, #tpu.memory_space<vmem_shared>>
        %dma_wait3A_124 = tpu.memref_squeeze %dma_wait3A_123 : memref<1x4x256xf32, #tpu.memory_space<vmem_shared>> -> memref<4x256xf32, #tpu.memory_space<vmem_shared>>
        %dma_wait3A_125 = arith.constant 0 : i32
        %dma_wait3A_126 = arith.constant 0 : i32
        %dma_wait3A_127 = tpu.memref_slice %arg8[%arg1, %dma_wait3A_125, %dma_wait3A_126] : memref<16x4x256xf32, #tpu.memory_space<vmem_shared>> -> memref<1x4x256xf32, #tpu.memory_space<vmem_shared>>
        %dma_wait3A_128 = tpu.memref_squeeze %dma_wait3A_127 : memref<1x4x256xf32, #tpu.memory_space<vmem_shared>> -> memref<4x256xf32, #tpu.memory_space<vmem_shared>>
        tpu.wait_dma2 semaphore(%run_scoped3A : memref<!tpu.dma_semaphore, #tpu.memory_space<semaphore_mem>>) src(%arg6 : memref<4x256xf32, #tpu.memory_space<vmem>>) dst(%dma_wait3A_128 : memref<4x256xf32, #tpu.memory_space<vmem_shared>>)
        tpu.yield
      }) : () -> ()
    } else {
    }
    %barrier3A_100 = arith.constant 0 : index
    tpu.barrier barrier_id(%barrier3A_100)
    %eq3A_101 = arith.constant 0 : i32
    %eq3A_102 = arith.cmpi eq, %select_n3A_30, %eq3A_101 : i32
    %convert_element_type3A_103 = arith.extui %eq3A_102 : i1 to i32
    %cond3A_104 = arith.constant 0 : i32
    %cond3A_105 = arith.cmpi ne, %convert_element_type3A_103, %cond3A_104 : i32
    scf.if %cond3A_105 {
      %scan3A_106 = arith.constant 0 : i32
      %scan3A_107 = arith.constant 0 : i32
      %scan3A_108 = arith.constant 16 : i32
      %scan3A_109 = arith.addi %scan3A_107, %scan3A_108 : i32
      %scan3A_110 = arith.constant 1 : i32
      scf.for %scan3A_112 = %scan3A_107 to %scan3A_109 step %scan3A_110  : i32 {
        %mul3A_113 = arith.constant 16 : i32
        %mul3A_114 = arith.muli %scan3A_112, %mul3A_113 : i32
        %get3A = arith.constant 2 : i32
        %get3A_115 = arith.index_cast %get3A : i32 to index
        %get3A_116 = arith.index_cast %mul3A_114 : i32 to index
        %get3A_117 = tpu.vector_load %arg6[%get3A_115, %get3A_116] {strides = array<i32>} : memref<4x256xf32, #tpu.memory_space<vmem>>, vector<1x16xf32>,
        %get3A_118 = vector.shape_cast %get3A_117 : vector<1x16xf32> to vector<16xf32>
        %mul3A_119 = arith.constant 2.44140625E-4 : f32
        %mul3A_120 = vector.broadcast %mul3A_119 : f32 to vector<16xf32>
        %mul3A_121 = arith.mulf %get3A_118, %mul3A_120 : vector<16xf32>
        %get3A_122 = arith.constant 3 : i32
        %get3A_123 = arith.index_cast %get3A_122 : i32 to index
        %get3A_124 = arith.index_cast %mul3A_114 : i32 to index
        %get3A_125 = tpu.vector_load %arg6[%get3A_123, %get3A_124] {strides = array<i32>} : memref<4x256xf32, #tpu.memory_space<vmem>>, vector<1x16xf32>,
        %get3A_126 = vector.shape_cast %get3A_125 : vector<1x16xf32> to vector<16xf32>
        %mul3A_127 = arith.mulf %get3A_118, %mul3A_121 : vector<16xf32>
        %sub3A_128 = arith.subf %get3A_126, %mul3A_127 : vector<16xf32>
        %mul3A_129 = arith.constant 2.44200259E-4 : f32
        %mul3A_130 = vector.broadcast %mul3A_129 : f32 to vector<16xf32>
        %mul3A_131 = arith.mulf %sub3A_128, %mul3A_130 : vector<16xf32>
        %max3A = arith.constant 0.000000e+00 : f32
        %max3A_132 = vector.broadcast %max3A : f32 to vector<16xf32>
        %max3A_133 = arith.maximumf %mul3A_131, %max3A_132 : vector<16xf32>
        %swap3A = arith.constant 2 : i32
        %swap3A_134 = arith.index_cast %swap3A : i32 to index
        %swap3A_135 = arith.index_cast %mul3A_114 : i32 to index
        %swap3A_136 = tpu.vector_load %arg6[%swap3A_134, %swap3A_135] {strides = array<i32>} : memref<4x256xf32, #tpu.memory_space<vmem>>, vector<1x16xf32>,
        %swap3A_137 = vector.shape_cast %swap3A_136 : vector<1x16xf32> to vector<16xf32>
        %swap3A_138 = vector.shape_cast %mul3A_121 : vector<16xf32> to vector<1x16xf32>
        tpu.vector_store %arg6[%swap3A_134, %swap3A_135], %swap3A_138 {strides = array<i32>} : memref<4x256xf32, #tpu.memory_space<vmem>>, vector<1x16xf32>,
        %broadcast_in_dim3A = arith.constant 1.000000e+00 : f32
        %broadcast_in_dim3A_139 = vector.broadcast %broadcast_in_dim3A : f32 to vector<16xf32>
        %ge3A = arith.constant 4.000000e+00 : f32
        %ge3A_140 = vector.broadcast %ge3A : f32 to vector<16xf32>
        %ge3A_141 = arith.cmpf oge, %max3A_133, %ge3A_140 : vector<16xf32>
        %mul3A_142 = arith.constant 2.000000e+00 : f32
        %mul3A_143 = vector.broadcast %mul3A_142 : f32 to vector<16xf32>
        %mul3A_144 = arith.mulf %broadcast_in_dim3A_139, %mul3A_143 : vector<16xf32>
        %select_n3A_145 = arith.select %ge3A_141, %mul3A_144, %broadcast_in_dim3A_139 : vector<16xi1>, vector<16xf32>
        %lt3A_146 = arith.constant 1.000000e+00 : f32
        %lt3A_147 = vector.broadcast %lt3A_146 : f32 to vector<16xf32>
        %lt3A_148 = arith.cmpf olt, %max3A_133, %lt3A_147 : vector<16xf32>
        %mul3A_149 = arith.constant 5.000000e-01 : f32
        %mul3A_150 = vector.broadcast %mul3A_149 : f32 to vector<16xf32>
        %mul3A_151 = arith.mulf %select_n3A_145, %mul3A_150 : vector<16xf32>
        %select_n3A_152 = arith.select %lt3A_148, %mul3A_151, %select_n3A_145 : vector<16xi1>, vector<16xf32>
        %ge3A_153 = arith.constant 1.600000e+01 : f32
        %ge3A_154 = vector.broadcast %ge3A_153 : f32 to vector<16xf32>
        %ge3A_155 = arith.cmpf oge, %max3A_133, %ge3A_154 : vector<16xf32>
        %mul3A_156 = arith.constant 2.000000e+00 : f32
        %mul3A_157 = vector.broadcast %mul3A_156 : f32 to vector<16xf32>
        %mul3A_158 = arith.mulf %select_n3A_152, %mul3A_157 : vector<16xf32>
        %select_n3A_159 = arith.select %ge3A_155, %mul3A_158, %select_n3A_152 : vector<16xi1>, vector<16xf32>
        %lt3A_160 = arith.constant 2.500000e-01 : f32
        %lt3A_161 = vector.broadcast %lt3A_160 : f32 to vector<16xf32>
        %lt3A_162 = arith.cmpf olt, %max3A_133, %lt3A_161 : vector<16xf32>
        %mul3A_163 = arith.constant 5.000000e-01 : f32
        %mul3A_164 = vector.broadcast %mul3A_163 : f32 to vector<16xf32>
        %mul3A_165 = arith.mulf %select_n3A_159, %mul3A_164 : vector<16xf32>
        %select_n3A_166 = arith.select %lt3A_162, %mul3A_165, %select_n3A_159 : vector<16xi1>, vector<16xf32>
        %ge3A_167 = arith.constant 6.400000e+01 : f32
        %ge3A_168 = vector.broadcast %ge3A_167 : f32 to vector<16xf32>
        %ge3A_169 = arith.cmpf oge, %max3A_133, %ge3A_168 : vector<16xf32>
        %mul3A_170 = arith.constant 2.000000e+00 : f32
        %mul3A_171 = vector.broadcast %mul3A_170 : f32 to vector<16xf32>
        %mul3A_172 = arith.mulf %select_n3A_166, %mul3A_171 : vector<16xf32>
        %select_n3A_173 = arith.select %ge3A_169, %mul3A_172, %select_n3A_166 : vector<16xi1>, vector<16xf32>
        %lt3A_174 = arith.constant 6.250000e-02 : f32
        %lt3A_175 = vector.broadcast %lt3A_174 : f32 to vector<16xf32>
        %lt3A_176 = arith.cmpf olt, %max3A_133, %lt3A_175 : vector<16xf32>
        %mul3A_177 = arith.constant 5.000000e-01 : f32
        %mul3A_178 = vector.broadcast %mul3A_177 : f32 to vector<16xf32>
        %mul3A_179 = arith.mulf %select_n3A_173, %mul3A_178 : vector<16xf32>
        %select_n3A_180 = arith.select %lt3A_176, %mul3A_179, %select_n3A_173 : vector<16xi1>, vector<16xf32>
        %ge3A_181 = arith.constant 2.560000e+02 : f32
        %ge3A_182 = vector.broadcast %ge3A_181 : f32 to vector<16xf32>
        %ge3A_183 = arith.cmpf oge, %max3A_133, %ge3A_182 : vector<16xf32>
        %mul3A_184 = arith.constant 2.000000e+00 : f32
        %mul3A_185 = vector.broadcast %mul3A_184 : f32 to vector<16xf32>
        %mul3A_186 = arith.mulf %select_n3A_180, %mul3A_185 : vector<16xf32>
        %select_n3A_187 = arith.select %ge3A_183, %mul3A_186, %select_n3A_180 : vector<16xi1>, vector<16xf32>
        %lt3A_188 = arith.constant 1.562500e-02 : f32
        %lt3A_189 = vector.broadcast %lt3A_188 : f32 to vector<16xf32>
        %lt3A_190 = arith.cmpf olt, %max3A_133, %lt3A_189 : vector<16xf32>
        %mul3A_191 = arith.constant 5.000000e-01 : f32
        %mul3A_192 = vector.broadcast %mul3A_191 : f32 to vector<16xf32>
        %mul3A_193 = arith.mulf %select_n3A_187, %mul3A_192 : vector<16xf32>
        %select_n3A_194 = arith.select %lt3A_190, %mul3A_193, %select_n3A_187 : vector<16xi1>, vector<16xf32>
        %ge3A_195 = arith.constant 1.024000e+03 : f32
        %ge3A_196 = vector.broadcast %ge3A_195 : f32 to vector<16xf32>
        %ge3A_197 = arith.cmpf oge, %max3A_133, %ge3A_196 : vector<16xf32>
        %mul3A_198 = arith.constant 2.000000e+00 : f32
        %mul3A_199 = vector.broadcast %mul3A_198 : f32 to vector<16xf32>
        %mul3A_200 = arith.mulf %select_n3A_194, %mul3A_199 : vector<16xf32>
        %select_n3A_201 = arith.select %ge3A_197, %mul3A_200, %select_n3A_194 : vector<16xi1>, vector<16xf32>
        %lt3A_202 = arith.constant 3.906250e-03 : f32
        %lt3A_203 = vector.broadcast %lt3A_202 : f32 to vector<16xf32>
        %lt3A_204 = arith.cmpf olt, %max3A_133, %lt3A_203 : vector<16xf32>
        %mul3A_205 = arith.constant 5.000000e-01 : f32
        %mul3A_206 = vector.broadcast %mul3A_205 : f32 to vector<16xf32>
        %mul3A_207 = arith.mulf %select_n3A_201, %mul3A_206 : vector<16xf32>
        %select_n3A_208 = arith.select %lt3A_204, %mul3A_207, %select_n3A_201 : vector<16xi1>, vector<16xf32>
        %ge3A_209 = arith.constant 4.096000e+03 : f32
        %ge3A_210 = vector.broadcast %ge3A_209 : f32 to vector<16xf32>
        %ge3A_211 = arith.cmpf oge, %max3A_133, %ge3A_210 : vector<16xf32>
        %mul3A_212 = arith.constant 2.000000e+00 : f32
        %mul3A_213 = vector.broadcast %mul3A_212 : f32 to vector<16xf32>
        %mul3A_214 = arith.mulf %select_n3A_208, %mul3A_213 : vector<16xf32>
        %select_n3A_215 = arith.select %ge3A_211, %mul3A_214, %select_n3A_208 : vector<16xi1>, vector<16xf32>
        %lt3A_216 = arith.constant 9.765625E-4 : f32
        %lt3A_217 = vector.broadcast %lt3A_216 : f32 to vector<16xf32>
        %lt3A_218 = arith.cmpf olt, %max3A_133, %lt3A_217 : vector<16xf32>
        %mul3A_219 = arith.constant 5.000000e-01 : f32
        %mul3A_220 = vector.broadcast %mul3A_219 : f32 to vector<16xf32>
        %mul3A_221 = arith.mulf %select_n3A_215, %mul3A_220 : vector<16xf32>
        %select_n3A_222 = arith.select %lt3A_218, %mul3A_221, %select_n3A_215 : vector<16xi1>, vector<16xf32>
        %ge3A_223 = arith.constant 1.638400e+04 : f32
        %ge3A_224 = vector.broadcast %ge3A_223 : f32 to vector<16xf32>
        %ge3A_225 = arith.cmpf oge, %max3A_133, %ge3A_224 : vector<16xf32>
        %mul3A_226 = arith.constant 2.000000e+00 : f32
        %mul3A_227 = vector.broadcast %mul3A_226 : f32 to vector<16xf32>
        %mul3A_228 = arith.mulf %select_n3A_222, %mul3A_227 : vector<16xf32>
        %select_n3A_229 = arith.select %ge3A_225, %mul3A_228, %select_n3A_222 : vector<16xi1>, vector<16xf32>
        %lt3A_230 = arith.constant 2.44140625E-4 : f32
        %lt3A_231 = vector.broadcast %lt3A_230 : f32 to vector<16xf32>
        %lt3A_232 = arith.cmpf olt, %max3A_133, %lt3A_231 : vector<16xf32>
        %mul3A_233 = arith.constant 5.000000e-01 : f32
        %mul3A_234 = vector.broadcast %mul3A_233 : f32 to vector<16xf32>
        %mul3A_235 = arith.mulf %select_n3A_229, %mul3A_234 : vector<16xf32>
        %select_n3A_236 = arith.select %lt3A_232, %mul3A_235, %select_n3A_229 : vector<16xi1>, vector<16xf32>
        %ge3A_237 = arith.constant 6.553600e+04 : f32
        %ge3A_238 = vector.broadcast %ge3A_237 : f32 to vector<16xf32>
        %ge3A_239 = arith.cmpf oge, %max3A_133, %ge3A_238 : vector<16xf32>
        %mul3A_240 = arith.constant 2.000000e+00 : f32
        %mul3A_241 = vector.broadcast %mul3A_240 : f32 to vector<16xf32>
        %mul3A_242 = arith.mulf %select_n3A_236, %mul3A_241 : vector<16xf32>
        %select_n3A_243 = arith.select %ge3A_239, %mul3A_242, %select_n3A_236 : vector<16xi1>, vector<16xf32>
        %lt3A_244 = arith.constant 6.10351563E-5 : f32
        %lt3A_245 = vector.broadcast %lt3A_244 : f32 to vector<16xf32>
        %lt3A_246 = arith.cmpf olt, %max3A_133, %lt3A_245 : vector<16xf32>
        %mul3A_247 = arith.constant 5.000000e-01 : f32
        %mul3A_248 = vector.broadcast %mul3A_247 : f32 to vector<16xf32>
        %mul3A_249 = arith.mulf %select_n3A_243, %mul3A_248 : vector<16xf32>
        %select_n3A_250 = arith.select %lt3A_246, %mul3A_249, %select_n3A_243 : vector<16xi1>, vector<16xf32>
        %ge3A_251 = arith.constant 2.621440e+05 : f32
        %ge3A_252 = vector.broadcast %ge3A_251 : f32 to vector<16xf32>
        %ge3A_253 = arith.cmpf oge, %max3A_133, %ge3A_252 : vector<16xf32>
        %mul3A_254 = arith.constant 2.000000e+00 : f32
        %mul3A_255 = vector.broadcast %mul3A_254 : f32 to vector<16xf32>
        %mul3A_256 = arith.mulf %select_n3A_250, %mul3A_255 : vector<16xf32>
        %select_n3A_257 = arith.select %ge3A_253, %mul3A_256, %select_n3A_250 : vector<16xi1>, vector<16xf32>
        %lt3A_258 = arith.constant 1.52587891E-5 : f32
        %lt3A_259 = vector.broadcast %lt3A_258 : f32 to vector<16xf32>
        %lt3A_260 = arith.cmpf olt, %max3A_133, %lt3A_259 : vector<16xf32>
        %mul3A_261 = arith.constant 5.000000e-01 : f32
        %mul3A_262 = vector.broadcast %mul3A_261 : f32 to vector<16xf32>
        %mul3A_263 = arith.mulf %select_n3A_257, %mul3A_262 : vector<16xf32>
        %select_n3A_264 = arith.select %lt3A_260, %mul3A_263, %select_n3A_257 : vector<16xi1>, vector<16xf32>
        %ge3A_265 = arith.constant 0x49800000 : f32
        %ge3A_266 = vector.broadcast %ge3A_265 : f32 to vector<16xf32>
        %ge3A_267 = arith.cmpf oge, %max3A_133, %ge3A_266 : vector<16xf32>
        %mul3A_268 = arith.constant 2.000000e+00 : f32
        %mul3A_269 = vector.broadcast %mul3A_268 : f32 to vector<16xf32>
        %mul3A_270 = arith.mulf %select_n3A_264, %mul3A_269 : vector<16xf32>
        %select_n3A_271 = arith.select %ge3A_267, %mul3A_270, %select_n3A_264 : vector<16xi1>, vector<16xf32>
        %lt3A_272 = arith.constant 3.81469727E-6 : f32
        %lt3A_273 = vector.broadcast %lt3A_272 : f32 to vector<16xf32>
        %lt3A_274 = arith.cmpf olt, %max3A_133, %lt3A_273 : vector<16xf32>
        %mul3A_275 = arith.constant 5.000000e-01 : f32
        %mul3A_276 = vector.broadcast %mul3A_275 : f32 to vector<16xf32>
        %mul3A_277 = arith.mulf %select_n3A_271, %mul3A_276 : vector<16xf32>
        %select_n3A_278 = arith.select %lt3A_274, %mul3A_277, %select_n3A_271 : vector<16xi1>, vector<16xf32>
        %ge3A_279 = arith.constant 0x4A800000 : f32
        %ge3A_280 = vector.broadcast %ge3A_279 : f32 to vector<16xf32>
        %ge3A_281 = arith.cmpf oge, %max3A_133, %ge3A_280 : vector<16xf32>
        %mul3A_282 = arith.constant 2.000000e+00 : f32
        %mul3A_283 = vector.broadcast %mul3A_282 : f32 to vector<16xf32>
        %mul3A_284 = arith.mulf %select_n3A_278, %mul3A_283 : vector<16xf32>
        %select_n3A_285 = arith.select %ge3A_281, %mul3A_284, %select_n3A_278 : vector<16xi1>, vector<16xf32>
        %lt3A_286 = arith.constant 9.53674316E-7 : f32
        %lt3A_287 = vector.broadcast %lt3A_286 : f32 to vector<16xf32>
        %lt3A_288 = arith.cmpf olt, %max3A_133, %lt3A_287 : vector<16xf32>
        %mul3A_289 = arith.constant 5.000000e-01 : f32
        %mul3A_290 = vector.broadcast %mul3A_289 : f32 to vector<16xf32>
        %mul3A_291 = arith.mulf %select_n3A_285, %mul3A_290 : vector<16xf32>
        %select_n3A_292 = arith.select %lt3A_288, %mul3A_291, %select_n3A_285 : vector<16xi1>, vector<16xf32>
        %ge3A_293 = arith.constant 0x4B800000 : f32
        %ge3A_294 = vector.broadcast %ge3A_293 : f32 to vector<16xf32>
        %ge3A_295 = arith.cmpf oge, %max3A_133, %ge3A_294 : vector<16xf32>
        %mul3A_296 = arith.constant 2.000000e+00 : f32
        %mul3A_297 = vector.broadcast %mul3A_296 : f32 to vector<16xf32>
        %mul3A_298 = arith.mulf %select_n3A_292, %mul3A_297 : vector<16xf32>
        %select_n3A_299 = arith.select %ge3A_295, %mul3A_298, %select_n3A_292 : vector<16xi1>, vector<16xf32>
        %lt3A_300 = arith.constant 2.38418579E-7 : f32
        %lt3A_301 = vector.broadcast %lt3A_300 : f32 to vector<16xf32>
        %lt3A_302 = arith.cmpf olt, %max3A_133, %lt3A_301 : vector<16xf32>
        %mul3A_303 = arith.constant 5.000000e-01 : f32
        %mul3A_304 = vector.broadcast %mul3A_303 : f32 to vector<16xf32>
        %mul3A_305 = arith.mulf %select_n3A_299, %mul3A_304 : vector<16xf32>
        %select_n3A_306 = arith.select %lt3A_302, %mul3A_305, %select_n3A_299 : vector<16xi1>, vector<16xf32>
        %ge3A_307 = arith.constant 0x4C800000 : f32
        %ge3A_308 = vector.broadcast %ge3A_307 : f32 to vector<16xf32>
        %ge3A_309 = arith.cmpf oge, %max3A_133, %ge3A_308 : vector<16xf32>
        %mul3A_310 = arith.constant 2.000000e+00 : f32
        %mul3A_311 = vector.broadcast %mul3A_310 : f32 to vector<16xf32>
        %mul3A_312 = arith.mulf %select_n3A_306, %mul3A_311 : vector<16xf32>
        %select_n3A_313 = arith.select %ge3A_309, %mul3A_312, %select_n3A_306 : vector<16xi1>, vector<16xf32>
        %lt3A_314 = arith.constant 5.96046448E-8 : f32
        %lt3A_315 = vector.broadcast %lt3A_314 : f32 to vector<16xf32>
        %lt3A_316 = arith.cmpf olt, %max3A_133, %lt3A_315 : vector<16xf32>
        %mul3A_317 = arith.constant 5.000000e-01 : f32
        %mul3A_318 = vector.broadcast %mul3A_317 : f32 to vector<16xf32>
        %mul3A_319 = arith.mulf %select_n3A_313, %mul3A_318 : vector<16xf32>
        %select_n3A_320 = arith.select %lt3A_316, %mul3A_319, %select_n3A_313 : vector<16xi1>, vector<16xf32>
        %ge3A_321 = arith.constant 0x4D800000 : f32
        %ge3A_322 = vector.broadcast %ge3A_321 : f32 to vector<16xf32>
        %ge3A_323 = arith.cmpf oge, %max3A_133, %ge3A_322 : vector<16xf32>
        %mul3A_324 = arith.constant 2.000000e+00 : f32
        %mul3A_325 = vector.broadcast %mul3A_324 : f32 to vector<16xf32>
        %mul3A_326 = arith.mulf %select_n3A_320, %mul3A_325 : vector<16xf32>
        %select_n3A_327 = arith.select %ge3A_323, %mul3A_326, %select_n3A_320 : vector<16xi1>, vector<16xf32>
        %lt3A_328 = arith.constant 1.49011612E-8 : f32
        %lt3A_329 = vector.broadcast %lt3A_328 : f32 to vector<16xf32>
        %lt3A_330 = arith.cmpf olt, %max3A_133, %lt3A_329 : vector<16xf32>
        %mul3A_331 = arith.constant 5.000000e-01 : f32
        %mul3A_332 = vector.broadcast %mul3A_331 : f32 to vector<16xf32>
        %mul3A_333 = arith.mulf %select_n3A_327, %mul3A_332 : vector<16xf32>
        %select_n3A_334 = arith.select %lt3A_330, %mul3A_333, %select_n3A_327 : vector<16xi1>, vector<16xf32>
        %ge3A_335 = arith.constant 1.07374182E+9 : f32
        %ge3A_336 = vector.broadcast %ge3A_335 : f32 to vector<16xf32>
        %ge3A_337 = arith.cmpf oge, %max3A_133, %ge3A_336 : vector<16xf32>
        %mul3A_338 = arith.constant 2.000000e+00 : f32
        %mul3A_339 = vector.broadcast %mul3A_338 : f32 to vector<16xf32>
        %mul3A_340 = arith.mulf %select_n3A_334, %mul3A_339 : vector<16xf32>
        %select_n3A_341 = arith.select %ge3A_337, %mul3A_340, %select_n3A_334 : vector<16xi1>, vector<16xf32>
        %lt3A_342 = arith.constant 3.7252903E-9 : f32
        %lt3A_343 = vector.broadcast %lt3A_342 : f32 to vector<16xf32>
        %lt3A_344 = arith.cmpf olt, %max3A_133, %lt3A_343 : vector<16xf32>
        %mul3A_345 = arith.constant 5.000000e-01 : f32
        %mul3A_346 = vector.broadcast %mul3A_345 : f32 to vector<16xf32>
        %mul3A_347 = arith.mulf %select_n3A_341, %mul3A_346 : vector<16xf32>
        %select_n3A_348 = arith.select %lt3A_344, %mul3A_347, %select_n3A_341 : vector<16xi1>, vector<16xf32>
        %ge3A_349 = arith.constant 4.2949673E+9 : f32
        %ge3A_350 = vector.broadcast %ge3A_349 : f32 to vector<16xf32>
        %ge3A_351 = arith.cmpf oge, %max3A_133, %ge3A_350 : vector<16xf32>
        %mul3A_352 = arith.constant 2.000000e+00 : f32
        %mul3A_353 = vector.broadcast %mul3A_352 : f32 to vector<16xf32>
        %mul3A_354 = arith.mulf %select_n3A_348, %mul3A_353 : vector<16xf32>
        %select_n3A_355 = arith.select %ge3A_351, %mul3A_354, %select_n3A_348 : vector<16xi1>, vector<16xf32>
        %lt3A_356 = arith.constant 9.31322574E-10 : f32
        %lt3A_357 = vector.broadcast %lt3A_356 : f32 to vector<16xf32>
        %lt3A_358 = arith.cmpf olt, %max3A_133, %lt3A_357 : vector<16xf32>
        %mul3A_359 = arith.constant 5.000000e-01 : f32
        %mul3A_360 = vector.broadcast %mul3A_359 : f32 to vector<16xf32>
        %mul3A_361 = arith.mulf %select_n3A_355, %mul3A_360 : vector<16xf32>
        %select_n3A_362 = arith.select %lt3A_358, %mul3A_361, %select_n3A_355 : vector<16xi1>, vector<16xf32>
        %div3A_363 = arith.divf %max3A_133, %select_n3A_362 : vector<16xf32>
        %add3A_364 = arith.addf %select_n3A_362, %div3A_363 : vector<16xf32>
        %mul3A_365 = arith.constant 5.000000e-01 : f32
        %mul3A_366 = vector.broadcast %mul3A_365 : f32 to vector<16xf32>
        %mul3A_367 = arith.mulf %mul3A_366, %add3A_364 : vector<16xf32>
        %div3A_368 = arith.divf %max3A_133, %mul3A_367 : vector<16xf32>
        %add3A_369 = arith.addf %mul3A_367, %div3A_368 : vector<16xf32>
        %mul3A_370 = arith.constant 5.000000e-01 : f32
        %mul3A_371 = vector.broadcast %mul3A_370 : f32 to vector<16xf32>
        %mul3A_372 = arith.mulf %mul3A_371, %add3A_369 : vector<16xf32>
        %div3A_373 = arith.divf %max3A_133, %mul3A_372 : vector<16xf32>
        %add3A_374 = arith.addf %mul3A_372, %div3A_373 : vector<16xf32>
        %mul3A_375 = arith.constant 5.000000e-01 : f32
        %mul3A_376 = vector.broadcast %mul3A_375 : f32 to vector<16xf32>
        %mul3A_377 = arith.mulf %mul3A_376, %add3A_374 : vector<16xf32>
        %div3A_378 = arith.divf %max3A_133, %mul3A_377 : vector<16xf32>
        %add3A_379 = arith.addf %mul3A_377, %div3A_378 : vector<16xf32>
        %mul3A_380 = arith.constant 5.000000e-01 : f32
        %mul3A_381 = vector.broadcast %mul3A_380 : f32 to vector<16xf32>
        %mul3A_382 = arith.mulf %mul3A_381, %add3A_379 : vector<16xf32>
        %gt3A = arith.constant 0.000000e+00 : f32
        %gt3A_383 = vector.broadcast %gt3A : f32 to vector<16xf32>
        %gt3A_384 = arith.cmpf ogt, %max3A_133, %gt3A_383 : vector<16xf32>
        %jit3A_385 = arith.constant 0.000000e+00 : f32
        %broadcast_in_dim3A_386 = vector.broadcast %jit3A_385 : f32 to vector<16xf32>
        %select_n3A_387 = arith.select %gt3A_384, %mul3A_382, %broadcast_in_dim3A_386 : vector<16xi1>, vector<16xf32>
        %swap3A_388 = arith.constant 3 : i32
        %swap3A_389 = arith.index_cast %swap3A_388 : i32 to index
        %swap3A_390 = arith.index_cast %mul3A_114 : i32 to index
        %swap3A_391 = tpu.vector_load %arg6[%swap3A_389, %swap3A_390] {strides = array<i32>} : memref<4x256xf32, #tpu.memory_space<vmem>>, vector<1x16xf32>,
        %swap3A_392 = vector.shape_cast %swap3A_391 : vector<1x16xf32> to vector<16xf32>
        %swap3A_393 = vector.shape_cast %select_n3A_387 : vector<16xf32> to vector<1x16xf32>
        tpu.vector_store %arg6[%swap3A_389, %swap3A_390], %swap3A_393 {strides = array<i32>} : memref<4x256xf32, #tpu.memory_space<vmem>>, vector<1x16xf32>,
      }
      %scan3A_111 = arith.constant 16 : i32
      "tpu.region"() ({
        %run_scoped3A = tpu.sem_alloc : memref<!tpu.dma_semaphore, #tpu.memory_space<semaphore_mem>>
        %dma_start3A_112 = arith.constant 0 : i32
        %dma_start3A_113 = arith.constant 0 : i32
        %dma_start3A_114 = tpu.memref_slice %arg3[%add3A, %dma_start3A_112, %dma_start3A_113] : memref<8x4x256xf32, #tpu.memory_space<hbm>> -> memref<1x4x256xf32, #tpu.memory_space<hbm>>
        %dma_start3A_115 = tpu.memref_squeeze %dma_start3A_114 : memref<1x4x256xf32, #tpu.memory_space<hbm>> -> memref<4x256xf32, #tpu.memory_space<hbm>>
        %dma_start3A_116 = arith.constant 0 : i32
        %dma_start3A_117 = arith.constant 0 : i32
        %dma_start3A_118 = tpu.memref_slice %arg3[%add3A, %dma_start3A_116, %dma_start3A_117] : memref<8x4x256xf32, #tpu.memory_space<hbm>> -> memref<1x4x256xf32, #tpu.memory_space<hbm>>
        %dma_start3A_119 = tpu.memref_squeeze %dma_start3A_118 : memref<1x4x256xf32, #tpu.memory_space<hbm>> -> memref<4x256xf32, #tpu.memory_space<hbm>>
        tpu.enqueue_dma source(%arg6 : memref<4x256xf32, #tpu.memory_space<vmem>>) target(%dma_start3A_119 : memref<4x256xf32, #tpu.memory_space<hbm>>) target_semaphore(%run_scoped3A : memref<!tpu.dma_semaphore, #tpu.memory_space<semaphore_mem>>)
        %dma_wait3A = arith.constant 0 : i32
        %dma_wait3A_120 = arith.constant 0 : i32
        %dma_wait3A_121 = tpu.memref_slice %arg3[%add3A, %dma_wait3A, %dma_wait3A_120] : memref<8x4x256xf32, #tpu.memory_space<hbm>> -> memref<1x4x256xf32, #tpu.memory_space<hbm>>
        %dma_wait3A_122 = tpu.memref_squeeze %dma_wait3A_121 : memref<1x4x256xf32, #tpu.memory_space<hbm>> -> memref<4x256xf32, #tpu.memory_space<hbm>>
        %dma_wait3A_123 = arith.constant 0 : i32
        %dma_wait3A_124 = arith.constant 0 : i32
        %dma_wait3A_125 = tpu.memref_slice %arg3[%add3A, %dma_wait3A_123, %dma_wait3A_124] : memref<8x4x256xf32, #tpu.memory_space<hbm>> -> memref<1x4x256xf32, #tpu.memory_space<hbm>>
        %dma_wait3A_126 = tpu.memref_squeeze %dma_wait3A_125 : memref<1x4x256xf32, #tpu.memory_space<hbm>> -> memref<4x256xf32, #tpu.memory_space<hbm>>
        tpu.wait_dma2 semaphore(%run_scoped3A : memref<!tpu.dma_semaphore, #tpu.memory_space<semaphore_mem>>) src(%arg6 : memref<4x256xf32, #tpu.memory_space<vmem>>) dst(%dma_wait3A_126 : memref<4x256xf32, #tpu.memory_space<hbm>>)
        tpu.yield
      }) : () -> ()
    } else {
    }
    return
  }
}

module attributes {stable_mosaic.version = 14 : i64} {
  func.func @_pool_tc_body(%arg0: i32, %arg1: memref<1x4096x256xf32, #tpu.memory_space<vmem>>, %arg2: memref<1x4x256xf32, #tpu.memory_space<vmem>>) attributes {dimension_semantics = [#tpu.dimension_semantics<arbitrary>], iteration_bounds = array<i64: 8>, scalar_prefetch = 0 : i64, scratch_operands = 0 : i64, tpu.core_type = #tpu.core_type<tc>, window_params = [{transform_indices = @transform_0, window_bounds = array<i64: 1, 4096, 256>}, {transform_indices = @transform_1, window_bounds = array<i64: 1, 4, 256>}]} {
    %get3A = arith.constant 0 : index
    %get3A_0 = arith.constant 0 : index
    %get3A_1 = arith.constant 0 : index
    %get3A_2 = vector.load %arg1[%get3A, %get3A_0, %get3A_1] : memref<1x4096x256xf32, #tpu.memory_space<vmem>>, vector<1x4096x256xf32>
    %get3A_3 = vector.shape_cast %get3A_2 : vector<1x4096x256xf32> to vector<4096x256xf32>
    %reduce_max3A = arith.constant dense<0xFF800000> : vector<256xf32>
    %reduce_max3A_4 = vector.multi_reduction <maximumf>, %get3A_3, %reduce_max3A [0] : vector<4096x256xf32> to vector<256xf32>
    %reduce_min3A = arith.constant dense<0x7F800000> : vector<256xf32>
    %reduce_min3A_5 = vector.multi_reduction <minimumf>, %get3A_3, %reduce_min3A [0] : vector<4096x256xf32> to vector<256xf32>
    %reduce_sum3A = arith.constant dense<0.000000e+00> : vector<256xf32>
    %reduce_sum3A_6 = vector.multi_reduction <add>, %get3A_3, %reduce_sum3A [0] : vector<4096x256xf32> to vector<256xf32>
    %mul3A = arith.mulf %get3A_3, %get3A_3 : vector<4096x256xf32>
    %reduce_sum3A_7 = arith.constant dense<0.000000e+00> : vector<256xf32>
    %reduce_sum3A_8 = vector.multi_reduction <add>, %mul3A, %reduce_sum3A_7 [0] : vector<4096x256xf32> to vector<256xf32>
    %mul3A_9 = arith.constant 2.44140625E-4 : f32
    %mul3A_10 = vector.broadcast %mul3A_9 : f32 to vector<256xf32>
    %mul3A_11 = arith.mulf %reduce_sum3A_6, %mul3A_10 : vector<256xf32>
    %mul3A_12 = arith.mulf %reduce_sum3A_6, %mul3A_11 : vector<256xf32>
    %sub3A = arith.subf %reduce_sum3A_8, %mul3A_12 : vector<256xf32>
    %mul3A_13 = arith.constant 2.44200259E-4 : f32
    %mul3A_14 = vector.broadcast %mul3A_13 : f32 to vector<256xf32>
    %mul3A_15 = arith.mulf %sub3A, %mul3A_14 : vector<256xf32>
    %max3A = arith.constant 0.000000e+00 : f32
    %max3A_16 = vector.broadcast %max3A : f32 to vector<256xf32>
    %max3A_17 = arith.maximumf %mul3A_15, %max3A_16 : vector<256xf32>
    %sqrt3A = math.sqrt %max3A_17 : vector<256xf32>
    %stack3A = vector.shape_cast %reduce_max3A_4 : vector<256xf32> to vector<1x256xf32>
    %stack3A_18 = vector.shape_cast %reduce_min3A_5 : vector<256xf32> to vector<1x256xf32>
    %stack3A_19 = vector.shape_cast %mul3A_11 : vector<256xf32> to vector<1x256xf32>
    %stack3A_20 = vector.shape_cast %sqrt3A : vector<256xf32> to vector<1x256xf32>
    %stack3A_21 = tpu.concatenate %stack3A, %stack3A_18, %stack3A_19, %stack3A_20 in 0 : vector<1x256xf32>, vector<1x256xf32>, vector<1x256xf32>, vector<1x256xf32> -> vector<4x256xf32>
    %swap3A = arith.constant 0 : index
    %swap3A_22 = arith.constant 0 : index
    %swap3A_23 = arith.constant 0 : index
    %swap3A_24 = vector.load %arg2[%swap3A, %swap3A_22, %swap3A_23] : memref<1x4x256xf32, #tpu.memory_space<vmem>>, vector<1x4x256xf32>
    %swap3A_25 = vector.shape_cast %swap3A_24 : vector<1x4x256xf32> to vector<4x256xf32>
    %swap3A_26 = vector.shape_cast %stack3A_21 : vector<4x256xf32> to vector<1x4x256xf32>
    tpu.vector_store %arg2[%swap3A, %swap3A_22, %swap3A_23], %swap3A_26 {strides = array<i32>} : memref<1x4x256xf32, #tpu.memory_space<vmem>>, vector<1x4x256xf32>,
    return
  }
  func.func @transform_0(%arg0: i32) -> (i32, i32, i32) {
    %add3A = arith.constant 8 : i32
    %add3A_0 = arith.addi %arg0, %add3A : i32
    %c0_i32 = arith.constant 0 : i32
    %c0_i32_1 = arith.constant 0 : i32
    %c0_i32_2 = arith.constant 0 : i32
    return %add3A_0, %c0_i32, %c0_i32_1 : i32, i32, i32
  }
  func.func @transform_1(%arg0: i32) -> (i32, i32, i32) {
    %c0_i32 = arith.constant 0 : i32
    %c0_i32_0 = arith.constant 0 : i32
    %c0_i32_1 = arith.constant 0 : i32
    return %arg0, %c0_i32, %c0_i32_0 : i32, i32, i32
  }
}

</mosaic_0001>

<sc_bundles>
// kernel: kernel.4.cloned.1.call-start
scs
__scs_entry_jumppad:
0x0: {  	(pc) =	sbr.rel $0x88, $3  }
0x1: {  	(tag) =	ssettag $0x0;
	lr =	simm.s32 $0x1  }
0x2: {  	[smem:$0x3FA0] =	sst lr;
	_ =	strace $0xD0000000  }
0x3: {  	_ = 	snop  }
0x4: {  	_ = 	snop  }
0x5: {  	_ = 	snop  }
0x6: {  	_ = 	snop  }
0x7: {  	_ = 	snop  }
__scs_overlays_trampoline_lowered:
0x8: {  	[smem:$0x3FAF] =	sst s0  }
0x9: {  	[smem:$0x3FB0] =	sst s1  }
0xa: {  	[smem:$0x3FB1] =	sst s2  }
0xb: {  	[smem:$0x3FB2] =	sst s3  }
0xc: {  	[smem:$0x3FB3] =	sst s4  }
0xd: {  	[smem:$0x3FB4] =	sst s5  }
0xe: {  	[smem:$0x3FB5] =	sst s6  }
0xf: {  	[smem:$0x3FB6] =	sst s7  }
0x10: {  	[smem:$0x3FB7] =	sst s8  }
0x11: {  	[smem:$0x3FB8] =	sst s9;
	s0 =	simm.s32 @!p0 $0x0  }
0x12: {  	s1 =	sld [smem:$0x3F9E];
	s0 =	simm.s32 @p0 $0x1  }
0x13: {  	[smem:$0x3FB9] =	sst s0;
	s0 =	simm.s32 @!p1 $0x0  }
0x14: {  	s2 =	sld [smem:$0x3F9D];
	s0 =	simm.s32 @p1 $0x1  }
0x15: {  	[smem:$0x3FBA] =	sst s0;
	s0 =	simm.s32 @!p2 $0x0  }
0x16: {  	s3 =	sld [smem:$0x3FDB];
	s0 =	simm.s32 @p2 $0x1  }
0x17: {  	s4 =	simm.s32 $0x1BF5;
	[smem:$0x3FBC] =	sst s0  }
0x18: {  	s0 =	sld [smem:$0x3F9F];
	_ =	swait.ge [sflag:s4], $0x0  }
0x19: {  	s7 =	sld [smem:$0x3FA0]  }
0x1a: {  	s8 =	sadd.s32 $0xFFFFE003, lr  }
0x1b: {  	s9 =	sadd.s32 $0xFFFFFEF7, lr;
	s5 =	simm.s32 $0xFFFFFFFF;
	p2 =	slt.u32 s8, $0xFFFFF086  }
0x1c: {  	p1 =	slt.u32 s9, $0xF7A;
	s5 =	simm.s32 @!p2 $0x0  }
0x1d: {  	s5 =	simm.s32 @p1 $0x1;
	p0 =	seq.s32 s7, s2  }
0x1e: {  	s7 =	smul.u32 @!p0 $0xF7A, s2;
	p2 =	seq.s32 @!p0 s5, $0x0  }
0x1f: {  	s9 =	smul.u32 $0xF7A, s1;
	s8 =	simm.s32 @!p0 $0x1BF5;
	p2 =	por !p2, p0  }
0x20: {  	[sflag:s8] =	ssyncset.s32 @!p0 $0xFFFFF086;
	s6 =	sadd.s32 @!p0 s3, s7;
	s7 =	simm.s32 @!p0 $0x108  }
0x21: {  	s3 =	sadd.s32 s3, s9;
	s6 =	sadd.s32 @!p0 $0x88, s6;
	s7 =	simm.s32 @p2 $0x1082  }
0x22: {  	[simem:s7], [sflag:s8] =	dma.local @!p0 [hbm:s6], $0xF7A  }
0x23: {  	s9 =	sor.u32 $0xD0000000, s2;
	s6 =	simm.s32 $0x108;
	_ =	swait.ge @!p0 [sflag:s8], $0x0  }
0x24: {  	s3 =	sadd.s32 $0x88, s3;
	s6 =	simm.s32 @!p1 $0x1082;
	[sflag:s4] =	ssyncset.s32 $0xFFFFF086  }
0x25: {  	[simem:s6], [sflag:s4] =	dma.local [hbm:s3], $0xF7A  }
0x26: {  	[smem:$0x3FA0] =	sst s1;
	(tag) =	ssettag s2;
	_ =	strace s9  }
0x27: {  	s1 =	sld [smem:$0x3FB0]  }
0x28: {  	s2 =	sld [smem:$0x3FB1]  }
0x29: {  	s4 =	sld [smem:$0x3FB3]  }
0x2a: {  	p0 =	seq.s32 s5, $0x0;
	s5 =	sld [smem:$0x3FB4]  }
0x2b: {  	s6 =	sld [smem:$0x3FB5]  }
0x2c: {  	s7 =	sld [smem:$0x3FB6]  }
0x2d: {  	s3 =	simm.s32 $0x108;
	s8 =	sld [smem:$0x3FB7]  }
0x2e: {  	s3 =	simm.s32 @!p0 $0x1082;
	s9 =	sld [smem:$0x3FB8]  }
0x2f: {  	lr =	sadd.s32 s0, s3;
	s0 =	sld [smem:$0x3FAF]  }
0x30: {  	s3 =	sld [smem:$0x3FB2]  }
0x31: {  	[smem:$0x3FBB] =	sst s10  }
0x32: {  	s10 =	sld [smem:$0x3FB9];
	_ =	sdelay $0x3  }
0x33: {  	p0 =	seq.s32 s10, $0x1;
	s10 =	sld [smem:$0x3FBB];
	_ =	sdelay $0x3  }
0x34: {  	[smem:$0x3FBB] =	sst s10  }
0x35: {  	s10 =	sld [smem:$0x3FBA];
	_ =	sdelay $0x3  }
0x36: {  	p1 =	seq.s32 s10, $0x1;
	s10 =	sld [smem:$0x3FBB];
	_ =	sdelay $0x3  }
0x37: {  	[smem:$0x3FBB] =	sst s10  }
0x38: {  	s10 =	sld [smem:$0x3FBC]  }
0x39: {  	_ = 	snop;
	(pc) =	sbr.ind lr, $3  }
0x3a: {  	_ = 	snop  }
0x3b: {  	_ = 	snop  }
0x3c: {  	p2 =	seq.s32 s10, $0x1;
	s10 =	sld [smem:$0x3FBB]  }
0x3d: {  	_ =	shalt  }
0x3e: {  	_ =	shalt  }
0x3f: {  	_ =	shalt  }
0x40: {  	_ =	shalt  }
0x41: {  	_ =	shalt  }
0x42: {  	_ =	shalt  }
0x43: {  	_ =	shalt  }
0x44: {  	_ =	shalt  }
0x45: {  	_ =	shalt  }
0x46: {  	_ =	shalt  }
0x47: {  	_ =	shalt  }
0x48: {  	_ =	shalt  }
0x49: {  	_ =	shalt  }
0x4a: {  	_ =	shalt  }
0x4b: {  	_ =	shalt  }
0x4c: {  	_ =	shalt  }
0x4d: {  	_ =	shalt  }
0x4e: {  	_ =	shalt  }
0x4f: {  	_ =	shalt  }
0x50: {  	_ =	shalt  }
0x51: {  	_ =	shalt  }
0x52: {  	_ =	shalt  }
0x53: {  	_ =	shalt  }
0x54: {  	_ =	shalt  }
0x55: {  	_ =	shalt  }
0x56: {  	_ =	shalt  }
0x57: {  	_ =	shalt  }
0x58: {  	_ =	shalt  }
0x59: {  	_ =	shalt  }
0x5a: {  	_ =	shalt  }
0x5b: {  	_ =	shalt  }
0x5c: {  	_ =	shalt  }
0x5d: {  	_ =	shalt  }
0x5e: {  	_ =	shalt  }
0x5f: {  	_ =	shalt  }
0x60: {  	_ =	shalt  }
0x61: {  	_ =	shalt  }
0x62: {  	_ =	shalt  }
0x63: {  	_ =	shalt  }
0x64: {  	_ =	shalt  }
0x65: {  	_ =	shalt  }
0x66: {  	_ =	shalt  }
0x67: {  	_ =	shalt  }
0x68: {  	_ =	shalt  }
0x69: {  	_ =	shalt  }
0x6a: {  	_ =	shalt  }
0x6b: {  	_ =	shalt  }
0x6c: {  	_ =	shalt  }
0x6d: {  	_ =	shalt  }
0x6e: {  	_ =	shalt  }
0x6f: {  	_ =	shalt  }
0x70: {  	_ =	shalt  }
0x71: {  	_ =	shalt  }
0x72: {  	_ =	shalt  }
0x73: {  	_ =	shalt  }
0x74: {  	_ =	shalt  }
0x75: {  	_ =	shalt  }
0x76: {  	_ =	shalt  }
0x77: {  	_ =	shalt  }
0x78: {  	_ =	shalt  }
0x79: {  	_ =	shalt  }
0x7a: {  	_ =	shalt  }
0x7b: {  	_ =	shalt  }
0x7c: {  	_ =	shalt  }
0x7d: {  	_ =	shalt  }
0x7e: {  	_ =	shalt  }
0x7f: {  	_ =	shalt  }
0x80: {  	_ =	shalt  }
0x81: {  	_ =	shalt  }
0x82: {  	_ =	shalt  }
0x83: {  	_ =	shalt  }
0x84: {  	_ =	shalt  }
0x85: {  	_ =	shalt  }
0x86: {  	_ =	shalt  }
0x87: {  	_ =	shalt  }
.Lfunc_end0:
.L_simem_size_0:
called_computation_lowered:
.L_overlay_start_0:
0x88: {  	s2 =	sld [smem:$0x3FD9]  }
0x89: {  	s3 =	sld [smem:$0x3FFE];
	_ =	sdelay $0x1  }
0x8a: {  	s1 =	srdreg.scid  }
0x8b: {  	s0 =	sand.u32 $0x1, s1  }
0x8c: {  	s17 =	sshll.u32 s0, $0xA;
	s2 =	sadd.s32 s3, s2  }
0x8d: {  	s2 =	sadd.s32 s2, s17  }
0x8e: {  	[smem:$0x3FC7] =	sst s2  }
0x8f: {  	_ = 	snop  }
0x90: {  	s2 =	sld [smem:$0x3FC9];
	(tm) =	ssettm $0x1  }
0x91: {  	s18 =	sld [smem:$0x3FFB];
	_ =	sdelay $0x3  }
0x92: {  	_ =	strace s18  }
0x93: {  	s3 =	sld [smem:$0x3FFC];
	_ =	sdelay $0x3  }
0x94: {  	_ =	strace s3  }
0x95: {  	s3 =	sld [smem:$0x3FFD];
	_ =	sdelay $0x3  }
0x96: {  	_ =	strace s3  }
0x97: {  	_ =	strace $0x8FFFFFFF  }
0x98: {  	s19 =	sld [smem:$0x3FDB];
	_ =	sdelay $0x1  }
0x99: {  	s4 =	simm.s32 $_scs_section_size  }
0x9a: {  	s5 =	simm.s32 $_size__tile_overlayer_lowered;
	s6 =	simm.s32 $_tile_overlayer_lowered  }
0x9b: {  	s22 =	simm.s32 $0x1BFF;
	s21 =	sshll.u32 s6, $0x1;
	s3 =	sadd.s32 s4, s19  }
0x9c: {  	s7 =	simm.s32 $0x0;
	s20 =	sshll.u32 s5, $0x1;
	s5 =	sadd.s32 s21, s3  }
0x9d: {  	[timem:s7], [sflag:s22] =	dma.local [hbm:s5], s20  }
0x9e: {  	_ =	swait.ge [sflag:s22], s20  }
0x9f: {  	s4 =	ssub.s32 $0x0, s20;
	[sflag:s22] =	ssyncset.done $0x0  }
0xa0: {  	[sflag:s22] =	ssyncadd.s32 s4;
	_ =	sdelay $0x1  }
0xa1: {  	s23 =	simm.s32 $0x1B8B  }
0xa2: {  	_ =	swait.ge [sflag:s23], $0x1  }
0xa3: {  	[sflag:s23] =	ssyncset.done $0x0  }
0xa4: {  	s25 =	simm.s32 $0x1B8E;
	s24 =	sld [smem:$0x3FFE];
	[sflag:s23] =	ssyncadd.s32 $0xFFFFFFFF  }
0xa5: {  	s26 =	simm.s32 $execute0_lowered;
	[smem:$0x3FD2] =	sst s25  }
0xa6: {  	s5 =	sshll.u32 s26, $0x1;
	_ =	strace $0x80000046;
	[dreg:$0x1] =	wrdreg $0xFFFFFFFF  }
0xa7: {  	s28 =	simm.s32 $_size_execute0_lowered;
	s3 =	sadd.s32 s3, s5;
	[dreg:$0x0] =	wrdreg $0x0  }
0xa8: {  	s5 =	sshll.u32 s28, $0x1;
	[dreg:$0x2] =	wrdreg s3  }
0xa9: {  	[dreg:$0x3] =	wrdreg s5  }
0xaa: {  	[dreg:$0x4] =	wrdreg $0xC0  }
0xab: {  	_ =	task [dreg:s7], $0x5FFFF  }
0xac: {  	[dreg:$0x1] =	wrdreg $0xFFFFFFFF  }
0xad: {  	[dreg:$0x0] =	wrdreg $0x60  }
0xae: {  	[dreg:$0x2] =	wrdreg s2  }
0xaf: {  	[dreg:$0x3] =	wrdreg s24  }
0xb0: {  	[dreg:$0x4] =	wrdreg $0x108000  }
0xb1: {  	[dreg:$0x5] =	wrdreg $0x9  }
0xb2: {  	_ =	task.clear_ibuf [dreg:s7], $0x6FFFF;
	_ =	strace $0x90000046  }
0xb3: {  	s29 =	simm.s32 $0x9;
	_ =	strace $0x80000048  }
0xb4: {  	_ =	swait.ge [sflag:s29], $0x1  }
0xb5: {  	[sflag:s29] =	ssyncadd.s32 $0xFFFFFFFF  }
0xb6: {  	_ =	strace $0x90000048  }
0xb7: {  	_ =	sfence  }
0xb8: {  	s30 =	sld [smem:$0x0];
	_ =	sdelay $0x2  }
0xb9: {  	s31 =	sshll.u32 s1, $0xD;
	s1 =	sshrl.u32 s1, $0x2  }
0xba: {  	s3 =	sand.u32 $0x4000, s31;
	s1 =	sadd.s32 s1, s30  }
0xbb: {  	s0 =	sor.u32 s3, s0;
	s1 =	sshll.u32 s1, $0x11  }
0xbc: {  	s0 =	sor.u32 s1, s0  }
0xbd: {  	s0 =	sadd.s32 $0x8F2B, s0  }
0xbe: {  	[sflag:s0] =	ssyncadd.remote.s32 $0x1  }
0xbf: {  	_ =	sfence.sel $0xFFFF  }
0xc0: {  	[dreg:$0x0] =	wrdreg $0xFFFFFFFF;
	(pc) =	sbr.abs _section_cstart, $3  }
0xc1: {  	[dreg:$0x1] =	wrdreg $0xFFFFFFFF  }
0xc2: {  	_ =	task.clear_ibuf [dreg:s7], $0x2FFFF;
	_ =	strace $0x9FFFFFFF  }
0xc3: {  	(tm) =	ssettm $0x7FFFFFFF  }
tec
execute0_lowered:
.L_overlay_start_1:
0x0: {  	(tag) =	ssettag $0x1  }
0x1: {  	s1 =	rddreg [dreg:$0x0]  }
0x2: {  	s4 =	rddreg [dreg:$0x1]  }
0x3: {  	s7 =	rddreg [dreg:$0x2]  }
0x4: {  	s3 =	srdreg.scid;
	s0 =	rddreg [dreg:$0x3]  }
0x5: {  	s2 =	stileid.u32;
	s13 =	simm.s32 $0x8000;
	s14 =	simm.s32 $0x1  }
0x6: {  	s15 =	simm.s32 $0x2;
	s17 =	simm.s32 $0x3;
	s18 =	simm.s32 $0x10400  }
0x7: {  	s5 =	sand.u32 $0x1, s3;
	s3 =	simm.s32 $0x0;
	s8 =	sshrl.u32 s2, $0x2  }
0x8: {  	s19 =	sand.u32 $0x3, s2;
	s31 =	sshll.u32 s2, $0xA;
	s16 =	sand.u32 $0x1, s2  }
0x9: {  	s6 =	sshll.u32 s5, $0x2;
	[smem:$0x7FF] =	sst s3;
	s28 =	sshll.u32 s19, $0x12  }
0xa: {  	s5 =	ssub.s32 $0x2, s5;
	s7 =	sadd.s32 s31, s7;
	p0 =	sne.s32 s16, $0x0  }
0xb: {  	s16 =	simm.s32 $0x10000;
	p1 =	seq.s32 s19, $0x0;
	s19 =	simm.s32 $0x0  }
0xc: {  	s6 =	sor.u32 s8, s6;
	_ =	strace $0x80000047;
	s29 =	sshrl.u32 s5, $0x1  }
.Ltmp0:
0xd: {  	s10 =	sadd.s32 $0x800, s7;
	s9 =	sshll.u32 s6, $0x14;
	(pc) =	sbr.rel .LBB2_1-.Ltmp0, $4  }
0xe: {  	s6 =	sshll.u32 s6, $0x7;
	s12 =	ssub.s32 s5, s29;
	s8 =	sor.u32 s28, s9  }
0xf: {  	s11 =	sadd.s32 s6, s4;
	s9 =	sadd.s32 $0x400, s7;
	s30 =	sshrl.u32 s8, $0x3  }
0x10: {  	v0 =	vimm.f32 $-Inf;
	s12 =	smax.u32 s12, $0x1;
	s6 =	sor.u32 $0x10000, s8;
	s4 =	sadd.s32 s1, s30  }
0x11: {  	v1 =	vimm.f32 $+Inf;
	v2 =	vimm.f32 $0.0e+00;
	v3 =	vimm.f32 $1.000000000e+00;
	s8 =	sor.u32 $0x18000, s8;
	s11 =	sadd.s32 $0x400, s11;
	s5 =	sadd.s32 $0x1000, s4  }
.LBB2_18:
.Ltmp1:
0x12: {  	(pc) =	sbr.rel @p1 .LBB2_20-.Ltmp1, $2  }
0x13: {  	_ =	sdelay $0x1  }
0x14: {  	[bflag:$0x0] =	sbarrier.arrive $0xFFFF;
	_ =	sdelay $0x1  }
0x15: {  	[bflag:$0x0] =	sbarrier.arrive $0xFFFF  }
.LBB2_25:
0x16: {  	s19 =	sadd.s32 $0x1, s19  }
0x17: {  	p2 =	sne.s32 s19, s12  }
.Ltmp2:
0x18: {  	_ = 	snop;
	(pc) =	sbr.rel @!p2 .LBB2_26-.Ltmp2, $1  }
0x19: {  	_ =	sdelay $0x3  }
.LBB2_1:
0x1a: {  	s20 =	sand.u32 $0x70, s3;
	s21 =	sand.u32 $0x200, s3  }
0x1b: {  	s22 =	sor.u32 s20, s21  }
0x1c: {  	[tilespmem:s22+$0x10180] =	vst v2  }
0x1d: {  	[tilespmem:s22+$0x10000] =	vst v0  }
0x1e: {  	s20 =	simm.s32 $0x10;
	s21 =	simm.s32 $0x0;
	[tilespmem:s22+$0x10080] =	vst v1  }
.LBB2_2:
0x1f: {  	s23 =	sand.u32 $0x70, s20;
	[tilespmem:s22+$0x10100] =	vst v2;
	s21 =	sadd.s32 $0x40, s21;
	p2 =	sne.s32 s20, $0xF0  }
.Ltmp3:
0x20: {  	s20 =	sadd.s32 $0x10, s20;
	s22 =	sand.u32 $0x200, s21;
	(pc) =	sbr.rel @p2 .LBB2_2-.Ltmp3, $4  }
0x21: {  	s22 =	sor.u32 s23, s22  }
0x22: {  	[tilespmem:s22+$0x10180] =	vst v2  }
0x23: {  	[tilespmem:s22+$0x10000] =	vst v0  }
0x24: {  	[tilespmem:s22+$0x10080] =	vst v1  }
0x25: {  	[tilespmem:s22+$0x10100] =	vst v2;
	s20 =	simm.s32 $0x0  }
0x26: {  	[tilespmem:s20], [sflag:$0x1] =	stream.linear.gather [hbm4b:s4+s20], $0x8000, $0x38;
	[tilespmem:$0x10C00] =	vst v63  }
0x27: {  	_ = 	snop  }
0x28: {  	[tilespmem:s13], [sflag:$0x2] =	stream.linear.gather [hbm4b:s5+s20], $0x8000, $0x38;
	[tilespmem:$0x10C00] =	vst v63  }
.LBB2_4:
0x29: {  	_ =	swait.ge [sflag:s14], $0x8000  }
0x2a: {  	[sflag:s14] =	ssyncset.done $0x0  }
0x2b: {  	s21 =	simm.s32 $0x0;
	s22 =	simm.s32 $0x0;
	[sflag:s14] =	ssyncadd.s32 $0xFFFF8000  }
.LBB2_5:
0x2c: {  	s23 =	sshll.u32 s22, $0x9;
	s24 =	sand.u32 $0x7, s21  }
0x2d: {  	s23 =	sand.u32 $0xFFFFF000, s23;
	s24 =	sshll.u32 s24, $0x6  }
0x2e: {  	s23 =	sor.u32 s24, s23  }
0x2f: {  	s23 =	sshrl.u32 s23, $0x2  }
0x30: {  	s26 =	sor.u32 $0x200, s23  }
0x31: {  	v4 =	vld [tilespmem:s26+$0xFFFFFE00]  }
0x32: {  	v5 =	vld [tilespmem:s26+$0xFFFFFE80]  }
0x33: {  	v6 =	vld [tilespmem:s26+$0xFFFFFF00]  }
0x34: {  	v8 =	vld [tilespmem:s26+$0xFFFFFF80]  }
0x35: {  	v7 =	vld [tilespmem:s26+$0x0]  }
0x36: {  	v9 =	vld [tilespmem:s26+$0x80]  }
0x37: {  	v11 =	vld [tilespmem:s26+$0x100]  }
0x38: {  	s30 =	sshll.u32 s22, $0x4;
	s31 =	sshll.u32 s22, $0x6;
	v14 =	vld [tilespmem:s26+$0x180];
	v12 =	vmax.f32 v4, v5;
	v15 =	vadd.f32 v5, v4;
	v10 =	vmin.f32 v4, v5  }
0x39: {  	s24 =	sand.u32 $0x3FFFFE00, s31;
	s23 =	sand.u32 $0x70, s30;
	v16 =	vmax.f32 v6, v8;
	v20 =	vmul.f32 v4, v4;
	v22 =	vmul.f32 v5, v5  }
0x3a: {  	s24 =	sor.u32 s23, s24;
	v13 =	vmin.f32 v6, v8;
	v25 =	vmul.f32 v6, v6;
	v26 =	vmul.f32 v8, v8  }
0x3b: {  	s23 =	sadd.s32 $0x10000, s24;
	v17 =	vadd.f32 v8, v6;
	v4 =	vld [tilespmem:s24+$0x10000];
	v18 =	vmul.f32 v7, v7;
	v21 =	vmul.f32 v9, v9  }
0x3c: {  	v5 =	vld [tilespmem:s23+$0x80];
	v23 =	vmul.f32 v11, v11;
	v12 =	vmax.f32 v12, v16;
	v16 =	vadd.f32 v9, v7  }
0x3d: {  	v6 =	vld [tilespmem:s23+$0x100];
	v24 =	vmul.f32 v14, v14;
	v15 =	vadd.f32 v17, v15;
	v17 =	vadd.f32 v14, v11  }
0x3e: {  	s25 =	simm.s32 $0x0;
	s26 =	sadd.s32 $0x800, s26;
	v8 =	vld [tilespmem:s23+$0x180];
	v19 =	vmax.f32 v7, v9;
	v20 =	vadd.f32 v22, v20;
	v22 =	vadd.f32 v26, v25  }
.LBB2_6:
0x3f: {  	v25 =	vld [tilespmem:s26+$0xFFFFFE00];
	v26 =	vmax.f32 v11, v14;
	v18 =	vadd.f32 v21, v18;
	v21 =	vadd.f32 v24, v23  }
0x40: {  	v7 =	vmin.f32 v7, v9;
	v9 =	vmin.f32 v11, v14;
	v11 =	vadd.f32 v17, v16;
	v23 =	vld [tilespmem:s26+$0xFFFFFE80]  }
0x41: {  	v14 =	vmax.f32 v19, v26;
	v16 =	vadd.f32 v22, v20;
	v17 =	vld [tilespmem:s26+$0xFFFFFF00];
	v18 =	vadd.f32 v21, v18  }
0x42: {  	v10 =	vmin.f32 v10, v13;
	v9 =	vmin.f32 v7, v9;
	v11 =	vadd.f32 v11, v15;
	v19 =	vld [tilespmem:s26+$0xFFFFFF80]  }
0x43: {  	v12 =	vmax.f32 v12, v14;
	v10 =	vmin.f32 v10, v9;
	v7 =	vld [tilespmem:s26+$0x0];
	v13 =	vadd.f32 v18, v16  }
0x44: {  	v4 =	vmax.f32 v4, v12;
	v5 =	vmin.f32 v5, v10;
	v6 =	vadd.f32 v11, v6;
	v9 =	vld [tilespmem:s26+$0x80]  }
0x45: {  	v11 =	vld [tilespmem:s26+$0x100];
	v12 =	vmax.f32 v25, v23;
	v15 =	vadd.f32 v23, v25;
	v8 =	vadd.f32 v13, v8  }
0x46: {  	s25 =	sadd.s32 $0x8, s25;
	v10 =	vmin.f32 v25, v23;
	v14 =	vld [tilespmem:s26+$0x180]  }
0x47: {  	p2 =	slt.u32 s25, $0x78;
	v16 =	vmax.f32 v17, v19;
	v13 =	vmin.f32 v17, v19;
	v18 =	vadd.f32 v19, v17  }
.Ltmp4:
0x48: {  	v20 =	vmul.f32 v25, v25;
	v22 =	vmul.f32 v23, v23;
	v12 =	vmax.f32 v12, v16;
	(pc) =	sbr.rel @p2 .LBB2_6-.Ltmp4, $4  }
0x49: {  	v25 =	vmul.f32 v17, v17;
	v26 =	vmul.f32 v19, v19;
	v16 =	vadd.f32 v9, v7  }
0x4a: {  	v15 =	vadd.f32 v18, v15;
	v18 =	vmul.f32 v7, v7;
	v21 =	vmul.f32 v9, v9  }
0x4b: {  	v23 =	vmul.f32 v11, v11;
	v17 =	vadd.f32 v14, v11;
	v24 =	vmul.f32 v14, v14  }
0x4c: {  	s26 =	sadd.s32 $0x800, s26;
	v20 =	vadd.f32 v22, v20;
	v19 =	vmax.f32 v7, v9;
	v22 =	vadd.f32 v26, v25  }
0x4d: {  	v25 =	vmax.f32 v11, v14  }
0x4e: {  	v18 =	vadd.f32 v21, v18;
	v55 =	vadd.f32 v24, v23;
	v7 =	vmin.f32 v7, v9  }
0x4f: {  	v56 =	vmin.f32 v11, v14;
	v57 =	vadd.f32 v17, v16;
	v10 =	vmin.f32 v10, v13  }
0x50: {  	s22 =	sadd.s32 $0x1, s22;
	v58 =	vmax.f32 v19, v25;
	v59 =	vadd.f32 v22, v20;
	v60 =	vadd.f32 v55, v18  }
0x51: {  	v7 =	vmin.f32 v7, v56;
	p2 =	sne.s32 s22, $0x10;
	v61 =	vadd.f32 v57, v15;
	v62 =	vmax.f32 v12, v58  }
.Ltmp5:
0x52: {  	v7 =	vmin.f32 v10, v7;
	v4 =	vmax.f32 v4, v62;
	v63 =	vadd.f32 v60, v59;
	(pc) =	sbr.rel @p2 .LBB2_5-.Ltmp5, $4  }
0x53: {  	v5 =	vmin.f32 v5, v7;
	v6 =	vadd.f32 v61, v6;
	[tilespmem:s24+$0x10000] =	vst v4  }
0x54: {  	[tilespmem:s23+$0x80] =	vst v5;
	v4 =	vadd.f32 v63, v8  }
0x55: {  	[tilespmem:s23+$0x100] =	vst v6  }
0x56: {  	s21 =	sadd.s32 $0x1, s21;
	[tilespmem:s23+$0x180] =	vst v4  }
0x57: {  	s21 =	sshll.u32 s20, $0x10;
	p2 =	seq.s32 s20, $0x3  }
0x58: {  	s22 =	sadd.s32 @!p2 s21, s6  }
0x59: {  	s22 =	sshrl.u32 @!p2 s22, $0x3  }
0x5a: {  	s23 =	simm.s32 @!p2 $0x0;
	s22 =	sadd.s32 @!p2 s1, s22  }
0x5b: {  	[tilespmem:s23], [sflag:$0x1] =	stream.linear.gather @!p2 [hbm4b:s22+s23], $0x8000, $0x38;
	[tilespmem:$0x10C00] =	vst v63  }
0x5c: {  	_ =	swait.ge [sflag:s15], $0x8000  }
0x5d: {  	[sflag:s15] =	ssyncset.done $0x0  }
0x5e: {  	s22 =	simm.s32 $0x0;
	s23 =	simm.s32 $0x0;
	[sflag:s15] =	ssyncadd.s32 $0xFFFF8000  }
.LBB2_9:
0x5f: {  	s24 =	sshll.u32 s23, $0x9;
	s25 =	sand.u32 $0x7, s22  }
0x60: {  	s24 =	sand.u32 $0xFFFFF000, s24;
	s25 =	sshll.u32 s25, $0x6  }
0x61: {  	s24 =	sor.u32 s25, s24  }
0x62: {  	s24 =	sshrl.u32 s24, $0x2  }
0x63: {  	s28 =	sadd.s32 $0x8200, s24  }
0x64: {  	v4 =	vld [tilespmem:s28+$0xFFFFFE00]  }
0x65: {  	v5 =	vld [tilespmem:s28+$0xFFFFFE80]  }
0x66: {  	v6 =	vld [tilespmem:s28+$0xFFFFFF00]  }
0x67: {  	v8 =	vld [tilespmem:s28+$0xFFFFFF80]  }
0x68: {  	v7 =	vld [tilespmem:s28+$0x0]  }
0x69: {  	v9 =	vld [tilespmem:s28+$0x80]  }
0x6a: {  	v11 =	vld [tilespmem:s28+$0x100]  }
0x6b: {  	s30 =	sshll.u32 s23, $0x4;
	s31 =	sshll.u32 s23, $0x6;
	v14 =	vld [tilespmem:s28+$0x180];
	v12 =	vmax.f32 v4, v5;
	v15 =	vadd.f32 v5, v4;
	v10 =	vmin.f32 v4, v5  }
0x6c: {  	s25 =	sand.u32 $0x3FFFFE00, s31;
	s24 =	sand.u32 $0x70, s30;
	v16 =	vmax.f32 v6, v8;
	v20 =	vmul.f32 v4, v4;
	v22 =	vmul.f32 v5, v5  }
0x6d: {  	s25 =	sor.u32 s24, s25;
	v13 =	vmin.f32 v6, v8;
	v25 =	vmul.f32 v6, v6;
	v26 =	vmul.f32 v8, v8  }
0x6e: {  	s24 =	sadd.s32 $0x10000, s25;
	v17 =	vadd.f32 v8, v6;
	v4 =	vld [tilespmem:s25+$0x10000];
	v18 =	vmul.f32 v7, v7;
	v21 =	vmul.f32 v9, v9  }
0x6f: {  	v5 =	vld [tilespmem:s24+$0x80];
	v23 =	vmul.f32 v11, v11;
	v12 =	vmax.f32 v12, v16;
	v16 =	vadd.f32 v9, v7  }
0x70: {  	v6 =	vld [tilespmem:s24+$0x100];
	v24 =	vmul.f32 v14, v14;
	v15 =	vadd.f32 v17, v15;
	v17 =	vadd.f32 v14, v11  }
0x71: {  	s26 =	simm.s32 $0x0;
	s28 =	sadd.s32 $0x800, s28;
	v8 =	vld [tilespmem:s24+$0x180];
	v19 =	vmax.f32 v7, v9;
	v20 =	vadd.f32 v22, v20;
	v22 =	vadd.f32 v26, v25  }
.LBB2_10:
0x72: {  	v25 =	vld [tilespmem:s28+$0xFFFFFE00];
	v26 =	vmax.f32 v11, v14;
	v18 =	vadd.f32 v21, v18;
	v21 =	vadd.f32 v24, v23  }
0x73: {  	v7 =	vmin.f32 v7, v9;
	v9 =	vmin.f32 v11, v14;
	v11 =	vadd.f32 v17, v16;
	v23 =	vld [tilespmem:s28+$0xFFFFFE80]  }
0x74: {  	v14 =	vmax.f32 v19, v26;
	v16 =	vadd.f32 v22, v20;
	v17 =	vld [tilespmem:s28+$0xFFFFFF00];
	v18 =	vadd.f32 v21, v18  }
0x75: {  	v10 =	vmin.f32 v10, v13;
	v9 =	vmin.f32 v7, v9;
	v11 =	vadd.f32 v11, v15;
	v19 =	vld [tilespmem:s28+$0xFFFFFF80]  }
0x76: {  	v12 =	vmax.f32 v12, v14;
	v10 =	vmin.f32 v10, v9;
	v7 =	vld [tilespmem:s28+$0x0];
	v13 =	vadd.f32 v18, v16  }
0x77: {  	v4 =	vmax.f32 v4, v12;
	v5 =	vmin.f32 v5, v10;
	v6 =	vadd.f32 v11, v6;
	v9 =	vld [tilespmem:s28+$0x80]  }
0x78: {  	v11 =	vld [tilespmem:s28+$0x100];
	v12 =	vmax.f32 v25, v23;
	v15 =	vadd.f32 v23, v25;
	v8 =	vadd.f32 v13, v8  }
0x79: {  	s26 =	sadd.s32 $0x8, s26;
	v10 =	vmin.f32 v25, v23;
	v14 =	vld [tilespmem:s28+$0x180]  }
0x7a: {  	p3 =	slt.u32 s26, $0x78;
	v16 =	vmax.f32 v17, v19;
	v13 =	vmin.f32 v17, v19;
	v18 =	vadd.f32 v19, v17  }
.Ltmp6:
0x7b: {  	v20 =	vmul.f32 v25, v25;
	v22 =	vmul.f32 v23, v23;
	v12 =	vmax.f32 v12, v16;
	(pc) =	sbr.rel @p3 .LBB2_10-.Ltmp6, $4  }
0x7c: {  	v25 =	vmul.f32 v17, v17;
	v26 =	vmul.f32 v19, v19;
	v16 =	vadd.f32 v9, v7  }
0x7d: {  	v15 =	vadd.f32 v18, v15;
	v18 =	vmul.f32 v7, v7;
	v21 =	vmul.f32 v9, v9  }
0x7e: {  	v23 =	vmul.f32 v11, v11;
	v17 =	vadd.f32 v14, v11;
	v24 =	vmul.f32 v14, v14  }
0x7f: {  	s28 =	sadd.s32 $0x800, s28;
	v20 =	vadd.f32 v22, v20;
	v19 =	vmax.f32 v7, v9;
	v22 =	vadd.f32 v26, v25  }
0x80: {  	v25 =	vmax.f32 v11, v14  }
0x81: {  	v18 =	vadd.f32 v21, v18;
	v55 =	vadd.f32 v24, v23;
	v7 =	vmin.f32 v7, v9  }
0x82: {  	v56 =	vmin.f32 v11, v14;
	v57 =	vadd.f32 v17, v16;
	v10 =	vmin.f32 v10, v13  }
0x83: {  	s23 =	sadd.s32 $0x1, s23;
	v58 =	vmax.f32 v19, v25;
	v59 =	vadd.f32 v22, v20;
	v60 =	vadd.f32 v55, v18  }
0x84: {  	v7 =	vmin.f32 v7, v56;
	p3 =	sne.s32 s23, $0x10;
	v61 =	vadd.f32 v57, v15;
	v62 =	vmax.f32 v12, v58  }
.Ltmp7:
0x85: {  	v7 =	vmin.f32 v10, v7;
	v4 =	vmax.f32 v4, v62;
	v63 =	vadd.f32 v60, v59;
	(pc) =	sbr.rel @p3 .LBB2_9-.Ltmp7, $4  }
0x86: {  	v5 =	vmin.f32 v5, v7;
	v6 =	vadd.f32 v61, v6;
	[tilespmem:s25+$0x10000] =	vst v4  }
0x87: {  	[tilespmem:s24+$0x80] =	vst v5;
	v4 =	vadd.f32 v63, v8  }
0x88: {  	[tilespmem:s24+$0x100] =	vst v6  }
0x89: {  	s22 =	sadd.s32 $0x1, s22;
	[tilespmem:s24+$0x180] =	vst v4  }
.Ltmp8:
0x8a: {  	(pc) =	sbr.rel @p2 .LBB2_14-.Ltmp8, $1  }
0x8b: {  	_ =	sdelay $0x3  }
.Ltmp9:
0x8c: {  	(pc) =	sbr.rel .LBB2_4-.Ltmp9, $4  }
0x8d: {  	s21 =	sadd.s32 s21, s8  }
0x8e: {  	s21 =	sshrl.u32 s21, $0x3  }
0x8f: {  	s20 =	sadd.s32 $0x1, s20;
	s21 =	sadd.s32 s1, s21  }
0x90: {  	[tilespmem:s13], [sflag:$0x2] =	stream.linear.gather [hbm4b:s21+s3], $0x8000, $0x38;
	[tilespmem:$0x10C00] =	vst v63  }
.LBB2_14:
0x91: {  	[spmem:s7] =	stream.linear.scatter [tilespmem:s16], [sflag:$0x3], $0x400, $0x38;
	[tilespmem:$0x10C00] =	vst v63  }
.Ltmp10:
0x92: {  	_ =	swait.ge [sflag:s17], $0x400;
	(pc) =	sbr.rel @p0 .LBB2_18-.Ltmp10, $3  }
0x93: {  	[sflag:s17] =	ssyncset.done $0x0  }
0x94: {  	[sflag:s17] =	ssyncadd.s32 $0xFFFFFC00  }
0x95: {  	[bflag:$0x0] =	sbarrier.arrive $0xFFFF;
	_ =	sdelay $0x1  }
0x96: {  	[tilespmem:s18], [sflag:$0x3] =	stream.linear.gather [spmem:s9], $0x400, $0x38;
	[tilespmem:$0x10C00] =	vst v63  }
0x97: {  	s20 =	simm.s32 $0x0;
	s21 =	simm.s32 $0x0;
	_ =	swait.ge [sflag:s17], $0x400  }
0x98: {  	s21 =	sand.u32 $0x70, s21;
	s22 =	sand.u32 $0x200, s20;
	[sflag:s17] =	ssyncset.done $0x0  }
0x99: {  	s21 =	sor.u32 s21, s22;
	[sflag:s17] =	ssyncadd.s32 $0xFFFFFC00  }
0x9a: {  	v4 =	vld [tilespmem:s21+$0x10000]  }
0x9b: {  	v5 =	vld [tilespmem:s21+$0x10400];
	_ =	sdelay $0x3  }
0x9c: {  	s31 =	sand.u32 $0xFFFFFE00, s20  }
0x9d: {  	s22 =	sadd.s32 $0x0, s31;
	v4 =	vmax.f32 v4, v5  }
0x9e: {  	s23 =	sor.u32 $0x80, s22;
	[tilespmem:s21+$0x10000] =	vst v4  }
0x9f: {  	v4 =	vld [tilespmem:s23+$0x10000]  }
0xa0: {  	v5 =	vld [tilespmem:s23+$0x10400];
	_ =	sdelay $0x4  }
0xa1: {  	v4 =	vmin.f32 v4, v5  }
0xa2: {  	[tilespmem:s23+$0x10000] =	vst v4  }
0xa3: {  	v4 =	vld [tilespmem:s21+$0x10100]  }
0xa4: {  	v5 =	vld [tilespmem:s21+$0x10500];
	_ =	sdelay $0x4  }
0xa5: {  	v4 =	vadd.f32 v5, v4;
	_ =	sdelay $0x1  }
0xa6: {  	s23 =	sor.u32 $0x180, s22;
	[tilespmem:s21+$0x10100] =	vst v4  }
0xa7: {  	v4 =	vld [tilespmem:s23+$0x10000]  }
0xa8: {  	s22 =	simm.s32 $0x40;
	s21 =	simm.s32 $0xFFFFFF00;
	v5 =	vld [tilespmem:s23+$0x10400]  }
.LBB2_16:
0xa9: {  	_ =	sdelay $0x1  }
0xaa: {  	p2 =	sne.s32 s22, $0x3C0;
	s20 =	sadd.s32 $0x10, s20;
	s21 =	sadd.s32 $0x10, s21  }
0xab: {  	s24 =	smov.u32 s22;
	s22 =	sadd.s32 $0x40, s22  }
0xac: {  	s25 =	sadd.s32 $0x100, s21;
	v4 =	vadd.f32 v5, v4  }
0xad: {  	s26 =	sand.u32 $0x200, s24;
	s25 =	sand.u32 $0x70, s25  }
0xae: {  	s25 =	sor.u32 s25, s26;
	[tilespmem:s23+$0x10000] =	vst v4  }
0xaf: {  	v4 =	vld [tilespmem:s25+$0x10000]  }
0xb0: {  	v5 =	vld [tilespmem:s25+$0x10400];
	_ =	sdelay $0x3  }
0xb1: {  	s23 =	sand.u32 $0xFFFFFE00, s24  }
0xb2: {  	s23 =	sadd.s32 s23, s20;
	v4 =	vmax.f32 v4, v5  }
0xb3: {  	s24 =	sor.u32 $0x80, s23;
	[tilespmem:s25+$0x10000] =	vst v4  }
0xb4: {  	v4 =	vld [tilespmem:s24+$0x10000]  }
0xb5: {  	v5 =	vld [tilespmem:s24+$0x10400];
	_ =	sdelay $0x4  }
0xb6: {  	v4 =	vmin.f32 v4, v5  }
0xb7: {  	[tilespmem:s24+$0x10000] =	vst v4  }
0xb8: {  	v4 =	vld [tilespmem:s25+$0x10100]  }
0xb9: {  	v5 =	vld [tilespmem:s25+$0x10500];
	_ =	sdelay $0x4  }
.Ltmp11:
0xba: {  	v4 =	vadd.f32 v5, v4;
	(pc) =	sbr.rel @p2 .LBB2_16-.Ltmp11, $4  }
0xbb: {  	_ = 	snop  }
0xbc: {  	s23 =	sor.u32 $0x180, s23;
	[tilespmem:s25+$0x10100] =	vst v4  }
0xbd: {  	v4 =	vld [tilespmem:s23+$0x10000]  }
0xbe: {  	v5 =	vld [tilespmem:s23+$0x10400]  }
0xbf: {  	_ =	sdelay $0x3  }
0xc0: {  	v4 =	vadd.f32 v5, v4;
	_ =	sdelay $0x1  }
.Ltmp12:
0xc1: {  	[tilespmem:s23+$0x10000] =	vst v4;
	(pc) =	sbr.rel .LBB2_18-.Ltmp12, $4  }
0xc2: {  	[spmem:s7] =	stream.linear.scatter [tilespmem:s16], [sflag:$0x3], $0x400, $0x38;
	[tilespmem:$0x10C00] =	vst v63  }
0xc3: {  	_ =	swait.ge [sflag:s17], $0x400  }
0xc4: {  	[sflag:s17] =	ssyncset.done $0x0  }
0xc5: {  	[sflag:s17] =	ssyncadd.s32 $0xFFFFFC00  }
.LBB2_20:
0xc6: {  	[tilespmem:s18], [sflag:$0x3] =	stream.linear.gather [spmem:s10], $0x400, $0x38;
	[tilespmem:$0x10C00] =	vst v63  }
0xc7: {  	s20 =	simm.s32 $0x0;
	s21 =	simm.s32 $0x0;
	_ =	swait.ge [sflag:s17], $0x400  }
0xc8: {  	s21 =	sand.u32 $0x70, s21;
	s22 =	sand.u32 $0x200, s20;
	[sflag:s17] =	ssyncset.done $0x0  }
0xc9: {  	s21 =	sor.u32 s21, s22;
	[sflag:s17] =	ssyncadd.s32 $0xFFFFFC00  }
0xca: {  	v4 =	vld [tilespmem:s21+$0x10000]  }
0xcb: {  	v5 =	vld [tilespmem:s21+$0x10400];
	_ =	sdelay $0x3  }
0xcc: {  	s31 =	sand.u32 $0xFFFFFE00, s20  }
0xcd: {  	s22 =	sadd.s32 $0x0, s31;
	v4 =	vmax.f32 v4, v5  }
0xce: {  	s23 =	sor.u32 $0x80, s22;
	[tilespmem:s21+$0x10000] =	vst v4  }
0xcf: {  	v4 =	vld [tilespmem:s23+$0x10000]  }
0xd0: {  	v5 =	vld [tilespmem:s23+$0x10400];
	_ =	sdelay $0x4  }
0xd1: {  	v4 =	vmin.f32 v4, v5  }
0xd2: {  	[tilespmem:s23+$0x10000] =	vst v4  }
0xd3: {  	v4 =	vld [tilespmem:s21+$0x10100]  }
0xd4: {  	v5 =	vld [tilespmem:s21+$0x10500];
	_ =	sdelay $0x4  }
0xd5: {  	v4 =	vadd.f32 v5, v4;
	_ =	sdelay $0x1  }
0xd6: {  	s23 =	sor.u32 $0x180, s22;
	[tilespmem:s21+$0x10100] =	vst v4  }
0xd7: {  	v4 =	vld [tilespmem:s23+$0x10000]  }
0xd8: {  	s22 =	simm.s32 $0x40;
	s21 =	simm.s32 $0xFFFFFF00;
	v5 =	vld [tilespmem:s23+$0x10400]  }
.LBB2_21:
0xd9: {  	_ =	sdelay $0x1  }
0xda: {  	p2 =	sne.s32 s22, $0x3C0;
	s20 =	sadd.s32 $0x10, s20;
	s21 =	sadd.s32 $0x10, s21  }
0xdb: {  	s24 =	smov.u32 s22;
	s22 =	sadd.s32 $0x40, s22  }
0xdc: {  	s25 =	sadd.s32 $0x100, s21;
	v4 =	vadd.f32 v5, v4  }
0xdd: {  	s26 =	sand.u32 $0x200, s24;
	s25 =	sand.u32 $0x70, s25  }
0xde: {  	s25 =	sor.u32 s25, s26;
	[tilespmem:s23+$0x10000] =	vst v4  }
0xdf: {  	v4 =	vld [tilespmem:s25+$0x10000]  }
0xe0: {  	v5 =	vld [tilespmem:s25+$0x10400];
	_ =	sdelay $0x3  }
0xe1: {  	s23 =	sand.u32 $0xFFFFFE00, s24  }
0xe2: {  	s23 =	sadd.s32 s23, s20;
	v4 =	vmax.f32 v4, v5  }
0xe3: {  	s24 =	sor.u32 $0x80, s23;
	[tilespmem:s25+$0x10000] =	vst v4  }
0xe4: {  	v4 =	vld [tilespmem:s24+$0x10000]  }
0xe5: {  	v5 =	vld [tilespmem:s24+$0x10400];
	_ =	sdelay $0x4  }
0xe6: {  	v4 =	vmin.f32 v4, v5  }
0xe7: {  	[tilespmem:s24+$0x10000] =	vst v4  }
0xe8: {  	v4 =	vld [tilespmem:s25+$0x10100]  }
0xe9: {  	v5 =	vld [tilespmem:s25+$0x10500];
	_ =	sdelay $0x4  }
.Ltmp13:
0xea: {  	v4 =	vadd.f32 v5, v4;
	(pc) =	sbr.rel @p2 .LBB2_21-.Ltmp13, $4  }
0xeb: {  	_ = 	snop  }
0xec: {  	s23 =	sor.u32 $0x180, s23;
	[tilespmem:s25+$0x10100] =	vst v4  }
0xed: {  	v4 =	vld [tilespmem:s23+$0x10000]  }
0xee: {  	v5 =	vld [tilespmem:s23+$0x10400]  }
0xef: {  	_ =	sdelay $0x3  }
0xf0: {  	v4 =	vadd.f32 v5, v4;
	_ =	sdelay $0x1  }
0xf1: {  	[tilespmem:s23+$0x10000] =	vst v4  }
0xf2: {  	[spmem:s7] =	stream.linear.scatter [tilespmem:s16], [sflag:$0x3], $0x400, $0x38;
	[tilespmem:$0x10C00] =	vst v63  }
0xf3: {  	_ =	swait.ge [sflag:s17], $0x400  }
0xf4: {  	s20 =	simm.s32 $0x0;
	[sflag:s17] =	ssyncset.done $0x0  }
0xf5: {  	s21 =	sand.u32 $0x70, s20;
	s20 =	sand.u32 $0x200, s20;
	[sflag:s17] =	ssyncadd.s32 $0xFFFFFC00  }
0xf6: {  	s20 =	sor.u32 s21, s20;
	[bflag:$0x0] =	sbarrier.arrive $0xFFFF  }
0xf7: {  	v4 =	vld [tilespmem:s20+$0x10100];
	_ =	sdelay $0x3  }
0xf8: {  	v5 =	vld [tilespmem:s20+$0x10180]  }
0xf9: {  	v6 =	vmul.f32 $2.441406250e-04, v4;
	_ =	sdelay $0x1  }
0xfa: {  	v4 =	vmul.f32 v6, v4;
	_ =	sdelay $0x1  }
0xfb: {  	v4 =	vsub.f32 v5, v4;
	_ =	sdelay $0x1  }
0xfc: {  	v4 =	vmul.f32 $2.442002590e-04, v4;
	_ =	sdelay $0x1  }
0xfd: {  	v4 =	vmax.f32 v4, $0.0e+00  }
0xfe: {  	vm0 =	vge.f32 v4, $4.000000000e+00  }
0xff: {  	v5 =	vsel vm0, $0x40000000, v3  }
0x100: {  	v7 =	vmul.f32 $5.000000000e-01, v5  }
0x101: {  	vm8 =	vlt.f32 v4, $1.000000000e+00  }
0x102: {  	v5 =	vsel vm8, v7, v5  }
0x103: {  	v7 =	vadd.f32 v5, v5  }
0x104: {  	vm9 =	vge.f32 v4, $1.600000000e+01  }
0x105: {  	v5 =	vsel vm9, v7, v5  }
0x106: {  	v7 =	vmul.f32 $5.000000000e-01, v5  }
0x107: {  	vm10 =	vlt.f32 v4, $2.500000000e-01  }
0x108: {  	v5 =	vsel vm10, v7, v5  }
0x109: {  	v7 =	vadd.f32 v5, v5  }
0x10a: {  	vm11 =	vge.f32 v4, $6.400000000e+01  }
0x10b: {  	v5 =	vsel vm11, v7, v5  }
0x10c: {  	v7 =	vmul.f32 $5.000000000e-01, v5  }
0x10d: {  	vm12 =	vlt.f32 v4, $6.250000000e-02  }
0x10e: {  	v5 =	vsel vm12, v7, v5  }
0x10f: {  	v7 =	vadd.f32 v5, v5  }
0x110: {  	vm13 =	vge.f32 v4, $2.560000000e+02  }
0x111: {  	v5 =	vsel vm13, v7, v5  }
0x112: {  	v7 =	vmul.f32 $5.000000000e-01, v5  }
0x113: {  	vm14 =	vlt.f32 v4, $1.562500000e-02  }
0x114: {  	v5 =	vsel vm14, v7, v5  }
0x115: {  	v7 =	vadd.f32 v5, v5  }
0x116: {  	vm15 =	vge.f32 v4, $1.024000000e+03  }
0x117: {  	v5 =	vsel vm15, v7, v5  }
0x118: {  	v7 =	vmul.f32 $5.000000000e-01, v5  }
0x119: {  	vm4 =	vlt.f32 v4, $3.906250000e-03  }
0x11a: {  	v5 =	vsel vm4, v7, v5  }
0x11b: {  	v7 =	vadd.f32 v5, v5  }
0x11c: {  	vm5 =	vge.f32 v4, $4.096000000e+03  }
0x11d: {  	v5 =	vsel vm5, v7, v5  }
0x11e: {  	v7 =	vmul.f32 $5.000000000e-01, v5  }
0x11f: {  	vm6 =	vlt.f32 v4, $9.765625000e-04  }
0x120: {  	v5 =	vsel vm6, v7, v5  }
0x121: {  	v7 =	vadd.f32 v5, v5  }
0x122: {  	vm7 =	vge.f32 v4, $1.638400000e+04  }
0x123: {  	v5 =	vsel vm7, v7, v5  }
0x124: {  	v7 =	vmul.f32 $5.000000000e-01, v5  }
0x125: {  	vm8 =	vlt.f32 v4, $2.441406250e-04  }
0x126: {  	v5 =	vsel vm8, v7, v5  }
0x127: {  	v7 =	vadd.f32 v5, v5  }
0x128: {  	vm9 =	vge.f32 v4, $6.553600000e+04  }
0x129: {  	v5 =	vsel vm9, v7, v5  }
0x12a: {  	v7 =	vmul.f32 $5.000000000e-01, v5  }
0x12b: {  	vm10 =	vlt.f32 v4, $6.103515630e-05  }
0x12c: {  	v5 =	vsel vm10, v7, v5  }
0x12d: {  	v7 =	vadd.f32 v5, v5  }
0x12e: {  	vm11 =	vge.f32 v4, $2.621440000e+05  }
0x12f: {  	v5 =	vsel vm11, v7, v5  }
0x130: {  	v7 =	vmul.f32 $5.000000000e-01, v5  }
0x131: {  	vm12 =	vlt.f32 v4, $1.525878910e-05  }
0x132: {  	v5 =	vsel vm12, v7, v5  }
0x133: {  	v7 =	vadd.f32 v5, v5  }
0x134: {  	vm13 =	vge.f32 v4, $1.048576000e+06  }
0x135: {  	v5 =	vsel vm13, v7, v5  }
0x136: {  	v7 =	vmul.f32 $5.000000000e-01, v5  }
0x137: {  	vm14 =	vlt.f32 v4, $3.814697270e-06  }
0x138: {  	v5 =	vsel vm14, v7, v5  }
0x139: {  	v7 =	vadd.f32 v5, v5  }
0x13a: {  	vm15 =	vge.f32 v4, $4.194304000e+06  }
0x13b: {  	v5 =	vsel vm15, v7, v5  }
0x13c: {  	v7 =	vmul.f32 $5.000000000e-01, v5  }
0x13d: {  	vm4 =	vlt.f32 v4, $9.536743160e-07  }
0x13e: {  	v5 =	vsel vm4, v7, v5  }
0x13f: {  	v7 =	vadd.f32 v5, v5  }
0x140: {  	vm5 =	vge.f32 v4, $1.677721600e+07  }
0x141: {  	v5 =	vsel vm5, v7, v5  }
0x142: {  	v7 =	vmul.f32 $5.000000000e-01, v5  }
0x143: {  	vm6 =	vlt.f32 v4, $2.384185790e-07  }
0x144: {  	v5 =	vsel vm6, v7, v5  }
0x145: {  	v7 =	vadd.f32 v5, v5  }
0x146: {  	vm7 =	vge.f32 v4, $6.710886400e+07  }
0x147: {  	v5 =	vsel vm7, v7, v5  }
0x148: {  	v7 =	vmul.f32 $5.000000000e-01, v5  }
0x149: {  	vm8 =	vlt.f32 v4, $5.960464480e-08  }
0x14a: {  	v5 =	vsel vm8, v7, v5  }
0x14b: {  	v7 =	vadd.f32 v5, v5  }
0x14c: {  	vm9 =	vge.f32 v4, $2.684354560e+08  }
0x14d: {  	v5 =	vsel vm9, v7, v5  }
0x14e: {  	v7 =	vmul.f32 $5.000000000e-01, v5  }
0x14f: {  	vm10 =	vlt.f32 v4, $1.490116120e-08  }
0x150: {  	v5 =	vsel vm10, v7, v5  }
0x151: {  	v7 =	vadd.f32 v5, v5  }
0x152: {  	vm11 =	vge.f32 v4, $1.073741820e+09  }
0x153: {  	v5 =	vsel vm11, v7, v5  }
0x154: {  	v7 =	vmul.f32 $5.000000000e-01, v5  }
0x155: {  	vm12 =	vlt.f32 v4, $3.725290300e-09  }
0x156: {  	v5 =	vsel vm12, v7, v5  }
0x157: {  	v7 =	vadd.f32 v5, v5  }
0x158: {  	vm13 =	vge.f32 v4, $4.294967300e+09  }
0x159: {  	v5 =	vsel vm13, v7, v5  }
0x15a: {  	v7 =	vmul.f32 $5.000000000e-01, v5  }
0x15b: {  	vm14 =	vlt.f32 v4, $9.313225740e-10  }
0x15c: {  	v5 =	vsel vm14, v7, v5  }
0x15d: {  	(erf) = vrcp.f32 v5;
	_ =	sdelay $0x8  }
0x15e: {  	v7 =	vpop (erf)  }
0x15f: {  	v7 =	vmul.f32 v7, v4;
	_ =	sdelay $0x1  }
0x160: {  	v5 =	vadd.f32 v7, v5;
	_ =	sdelay $0x1  }
0x161: {  	v5 =	vmul.f32 $5.000000000e-01, v5;
	_ =	sdelay $0x1  }
0x162: {  	(erf) = vrcp.f32 v5;
	_ =	sdelay $0x8  }
0x163: {  	v7 =	vpop (erf)  }
0x164: {  	v7 =	vmul.f32 v7, v4;
	_ =	sdelay $0x1  }
0x165: {  	v5 =	vadd.f32 v7, v5;
	_ =	sdelay $0x1  }
0x166: {  	v5 =	vmul.f32 $5.000000000e-01, v5;
	_ =	sdelay $0x1  }
0x167: {  	(erf) = vrcp.f32 v5;
	_ =	sdelay $0x8  }
0x168: {  	v7 =	vpop (erf)  }
0x169: {  	v7 =	vmul.f32 v7, v4;
	_ =	sdelay $0x1  }
0x16a: {  	v5 =	vadd.f32 v7, v5;
	_ =	sdelay $0x1  }
0x16b: {  	v5 =	vmul.f32 $5.000000000e-01, v5;
	_ =	sdelay $0x1  }
0x16c: {  	(erf) = vrcp.f32 v5;
	_ =	sdelay $0x8  }
0x16d: {  	v7 =	vpop (erf)  }
0x16e: {  	v7 =	vmul.f32 v7, v4  }
0x16f: {  	s22 =	simm.s32 $0x10;
	s21 =	simm.s32 $0x40  }
0x170: {  	s22 =	sand.u32 $0x70, s22;
	s31 =	sand.u32 $0x200, s21;
	v5 =	vadd.f32 v7, v5  }
0x171: {  	s24 =	sor.u32 s22, s31;
	[tilespmem:s20+$0x10100] =	vst v6  }
0x172: {  	v7 =	vmul.f32 $5.000000000e-01, v5;
	v5 =	vld [tilespmem:s24+$0x10100]  }
0x173: {  	vm15 =	vgt.f32 v4, $0.0e+00  }
0x174: {  	s22 =	simm.s32 $0x20;
	v4 =	vnsel vm15, $0x0, v7  }
.LBB2_23:
0x175: {  	p2 =	sne.s32 s22, $0xF0;
	[tilespmem:s20+$0x10180] =	vst v4;
	s23 =	smov.u32 s22;
	s22 =	sadd.s32 $0x10, s22  }
0x176: {  	s20 =	smov.u32 s24;
	v4 =	vld [tilespmem:s24+$0x10180]  }
0x177: {  	v6 =	vmul.f32 $2.441406250e-04, v5;
	_ =	sdelay $0x1  }
0x178: {  	v5 =	vmul.f32 v6, v5;
	[tilespmem:s20+$0x10100] =	vst v6;
	_ =	sdelay $0x1  }
0x179: {  	v4 =	vsub.f32 v4, v5;
	_ =	sdelay $0x1  }
0x17a: {  	v4 =	vmul.f32 $2.442002590e-04, v4;
	_ =	sdelay $0x1  }
0x17b: {  	v4 =	vmax.f32 v4, $0.0e+00  }
0x17c: {  	vm0 =	vge.f32 v4, $4.000000000e+00;
	vm1 =	vlt.f32 v4, $1.000000000e+00;
	vm8 =	vge.f32 v4, $1.600000000e+01  }
0x17d: {  	vm9 =	vlt.f32 v4, $2.500000000e-01;
	vm7 =	vlt.f32 v4, $1.562500000e-02;
	v5 =	vsel vm0, $0x40000000, v3  }
0x17e: {  	vm6 =	vge.f32 v4, $1.024000000e+03;
	vm5 =	vlt.f32 v4, $3.906250000e-03;
	v6 =	vmul.f32 $5.000000000e-01, v5  }
0x17f: {  	vm4 =	vge.f32 v4, $4.096000000e+03;
	vm3 =	vlt.f32 v4, $9.765625000e-04;
	vm2 =	vlt.f32 v4, $1.525878910e-05  }
0x180: {  	vm0 =	vlt.f32 v4, $9.536743160e-07;
	v5 =	vsel vm1, v6, v5;
	vm1 =	vlt.f32 v4, $3.814697270e-06  }
0x181: {  	v6 =	vadd.f32 v5, v5;
	_ =	sdelay $0x1  }
0x182: {  	v5 =	vsel vm8, v6, v5  }
0x183: {  	v6 =	vmul.f32 $5.000000000e-01, v5;
	_ =	sdelay $0x1  }
0x184: {  	v5 =	vsel vm9, v6, v5  }
0x185: {  	v6 =	vadd.f32 v5, v5  }
0x186: {  	vm8 =	vge.f32 v4, $6.400000000e+01  }
0x187: {  	v5 =	vsel vm8, v6, v5  }
0x188: {  	v6 =	vmul.f32 $5.000000000e-01, v5  }
0x189: {  	vm8 =	vlt.f32 v4, $6.250000000e-02  }
0x18a: {  	v5 =	vsel vm8, v6, v5  }
0x18b: {  	v6 =	vadd.f32 v5, v5  }
0x18c: {  	vm8 =	vge.f32 v4, $2.560000000e+02  }
0x18d: {  	v5 =	vsel vm8, v6, v5  }
0x18e: {  	v6 =	vmul.f32 $5.000000000e-01, v5;
	_ =	sdelay $0x1  }
0x18f: {  	v5 =	vsel vm7, v6, v5  }
0x190: {  	v6 =	vadd.f32 v5, v5;
	_ =	sdelay $0x1  }
0x191: {  	v5 =	vsel vm6, v6, v5  }
0x192: {  	v6 =	vmul.f32 $5.000000000e-01, v5;
	_ =	sdelay $0x1  }
0x193: {  	v5 =	vsel vm5, v6, v5  }
0x194: {  	v6 =	vadd.f32 v5, v5;
	_ =	sdelay $0x1  }
0x195: {  	v5 =	vsel vm4, v6, v5  }
0x196: {  	v6 =	vmul.f32 $5.000000000e-01, v5;
	_ =	sdelay $0x1  }
0x197: {  	v5 =	vsel vm3, v6, v5  }
0x198: {  	v6 =	vadd.f32 v5, v5  }
0x199: {  	vm3 =	vge.f32 v4, $1.638400000e+04  }
0x19a: {  	v5 =	vsel vm3, v6, v5  }
0x19b: {  	v6 =	vmul.f32 $5.000000000e-01, v5  }
0x19c: {  	vm3 =	vlt.f32 v4, $2.441406250e-04  }
0x19d: {  	v5 =	vsel vm3, v6, v5  }
0x19e: {  	v6 =	vadd.f32 v5, v5  }
0x19f: {  	vm3 =	vge.f32 v4, $6.553600000e+04  }
0x1a0: {  	v5 =	vsel vm3, v6, v5  }
0x1a1: {  	v6 =	vmul.f32 $5.000000000e-01, v5  }
0x1a2: {  	vm3 =	vlt.f32 v4, $6.103515630e-05  }
0x1a3: {  	v5 =	vsel vm3, v6, v5  }
0x1a4: {  	v6 =	vadd.f32 v5, v5  }
0x1a5: {  	vm3 =	vge.f32 v4, $2.621440000e+05  }
0x1a6: {  	v5 =	vsel vm3, v6, v5  }
0x1a7: {  	v6 =	vmul.f32 $5.000000000e-01, v5;
	_ =	sdelay $0x1  }
0x1a8: {  	v5 =	vsel vm2, v6, v5  }
0x1a9: {  	v6 =	vadd.f32 v5, v5  }
0x1aa: {  	vm2 =	vge.f32 v4, $1.048576000e+06  }
0x1ab: {  	v5 =	vsel vm2, v6, v5  }
0x1ac: {  	v6 =	vmul.f32 $5.000000000e-01, v5;
	_ =	sdelay $0x1  }
0x1ad: {  	v5 =	vsel vm1, v6, v5  }
0x1ae: {  	v6 =	vadd.f32 v5, v5  }
0x1af: {  	vm1 =	vge.f32 v4, $4.194304000e+06  }
0x1b0: {  	v5 =	vsel vm1, v6, v5  }
0x1b1: {  	v6 =	vmul.f32 $5.000000000e-01, v5;
	_ =	sdelay $0x1  }
0x1b2: {  	v5 =	vsel vm0, v6, v5  }
0x1b3: {  	v6 =	vadd.f32 v5, v5  }
0x1b4: {  	vm0 =	vge.f32 v4, $1.677721600e+07  }
0x1b5: {  	v5 =	vsel vm0, v6, v5  }
0x1b6: {  	v6 =	vmul.f32 $5.000000000e-01, v5  }
0x1b7: {  	vm0 =	vlt.f32 v4, $2.384185790e-07  }
0x1b8: {  	v5 =	vsel vm0, v6, v5  }
0x1b9: {  	v6 =	vadd.f32 v5, v5  }
0x1ba: {  	vm0 =	vge.f32 v4, $6.710886400e+07  }
0x1bb: {  	v5 =	vsel vm0, v6, v5  }
0x1bc: {  	v6 =	vmul.f32 $5.000000000e-01, v5  }
0x1bd: {  	vm0 =	vlt.f32 v4, $5.960464480e-08  }
0x1be: {  	v5 =	vsel vm0, v6, v5  }
0x1bf: {  	v6 =	vadd.f32 v5, v5  }
0x1c0: {  	vm0 =	vge.f32 v4, $2.684354560e+08  }
0x1c1: {  	v5 =	vsel vm0, v6, v5  }
0x1c2: {  	v6 =	vmul.f32 $5.000000000e-01, v5  }
0x1c3: {  	vm0 =	vlt.f32 v4, $1.490116120e-08  }
0x1c4: {  	v5 =	vsel vm0, v6, v5  }
0x1c5: {  	v6 =	vadd.f32 v5, v5  }
0x1c6: {  	vm0 =	vge.f32 v4, $1.073741820e+09  }
0x1c7: {  	v5 =	vsel vm0, v6, v5  }
0x1c8: {  	v6 =	vmul.f32 $5.000000000e-01, v5  }
0x1c9: {  	vm0 =	vlt.f32 v4, $3.725290300e-09  }
0x1ca: {  	v5 =	vsel vm0, v6, v5  }
0x1cb: {  	v6 =	vadd.f32 v5, v5  }
0x1cc: {  	vm0 =	vge.f32 v4, $4.294967300e+09  }
0x1cd: {  	v5 =	vsel vm0, v6, v5  }
0x1ce: {  	v6 =	vmul.f32 $5.000000000e-01, v5  }
0x1cf: {  	vm0 =	vlt.f32 v4, $9.313225740e-10  }
0x1d0: {  	v5 =	vsel vm0, v6, v5  }
0x1d1: {  	(erf) = vrcp.f32 v5;
	_ =	sdelay $0x8  }
0x1d2: {  	v6 =	vpop (erf)  }
0x1d3: {  	v6 =	vmul.f32 v6, v4;
	_ =	sdelay $0x1  }
0x1d4: {  	v5 =	vadd.f32 v6, v5;
	_ =	sdelay $0x1  }
0x1d5: {  	v5 =	vmul.f32 $5.000000000e-01, v5;
	_ =	sdelay $0x1  }
0x1d6: {  	(erf) = vrcp.f32 v5;
	_ =	sdelay $0x8  }
0x1d7: {  	v6 =	vpop (erf)  }
0x1d8: {  	v6 =	vmul.f32 v6, v4;
	_ =	sdelay $0x1  }
0x1d9: {  	v5 =	vadd.f32 v6, v5;
	_ =	sdelay $0x1  }
0x1da: {  	v5 =	vmul.f32 $5.000000000e-01, v5;
	_ =	sdelay $0x1  }
0x1db: {  	(erf) = vrcp.f32 v5;
	_ =	sdelay $0x8  }
0x1dc: {  	v6 =	vpop (erf)  }
0x1dd: {  	v6 =	vmul.f32 v6, v4;
	_ =	sdelay $0x1  }
0x1de: {  	v5 =	vadd.f32 v6, v5;
	_ =	sdelay $0x1  }
0x1df: {  	v5 =	vmul.f32 $5.000000000e-01, v5;
	_ =	sdelay $0x1  }
0x1e0: {  	(erf) = vrcp.f32 v5;
	_ =	sdelay $0x8  }
0x1e1: {  	v6 =	vpop (erf)  }
0x1e2: {  	v6 =	vmul.f32 v6, v4  }
0x1e3: {  	s21 =	sadd.s32 $0x40, s21  }
.Ltmp14:
0x1e4: {  	s23 =	sand.u32 $0x70, s23;
	s24 =	sand.u32 $0x200, s21;
	v6 =	vadd.f32 v6, v5;
	(pc) =	sbr.rel @p2 .LBB2_23-.Ltmp14, $4  }
0x1e5: {  	s24 =	sor.u32 s23, s24  }
0x1e6: {  	v5 =	vld [tilespmem:s24+$0x10100];
	v6 =	vmul.f32 $5.000000000e-01, v6  }
0x1e7: {  	vm0 =	vgt.f32 v4, $0.0e+00  }
0x1e8: {  	v4 =	vnsel vm0, $0x0, v6  }
0x1e9: {  	[tilespmem:s20+$0x10180] =	vst v4  }
0x1ea: {  	v4 =	vld [tilespmem:s24+$0x10180]  }
0x1eb: {  	v6 =	vmul.f32 $2.441406250e-04, v5;
	_ =	sdelay $0x1  }
0x1ec: {  	v5 =	vmul.f32 v6, v5;
	_ =	sdelay $0x1  }
0x1ed: {  	v4 =	vsub.f32 v4, v5;
	_ =	sdelay $0x1  }
0x1ee: {  	v4 =	vmul.f32 $2.442002590e-04, v4;
	_ =	sdelay $0x1  }
0x1ef: {  	v4 =	vmax.f32 v4, $0.0e+00  }
0x1f0: {  	vm0 =	vge.f32 v4, $4.000000000e+00  }
0x1f1: {  	v5 =	vsel vm0, $0x40000000, v3  }
0x1f2: {  	v7 =	vmul.f32 $5.000000000e-01, v5  }
0x1f3: {  	vm8 =	vlt.f32 v4, $1.000000000e+00  }
0x1f4: {  	v5 =	vsel vm8, v7, v5  }
0x1f5: {  	v7 =	vadd.f32 v5, v5  }
0x1f6: {  	vm9 =	vge.f32 v4, $1.600000000e+01  }
0x1f7: {  	v5 =	vsel vm9, v7, v5  }
0x1f8: {  	v7 =	vmul.f32 $5.000000000e-01, v5  }
0x1f9: {  	vm10 =	vlt.f32 v4, $2.500000000e-01  }
0x1fa: {  	v5 =	vsel vm10, v7, v5  }
0x1fb: {  	v7 =	vadd.f32 v5, v5  }
0x1fc: {  	vm11 =	vge.f32 v4, $6.400000000e+01  }
0x1fd: {  	v5 =	vsel vm11, v7, v5  }
0x1fe: {  	v7 =	vmul.f32 $5.000000000e-01, v5  }
0x1ff: {  	vm12 =	vlt.f32 v4, $6.250000000e-02  }
0x200: {  	v5 =	vsel vm12, v7, v5  }
0x201: {  	v7 =	vadd.f32 v5, v5  }
0x202: {  	vm13 =	vge.f32 v4, $2.560000000e+02  }
0x203: {  	v5 =	vsel vm13, v7, v5  }
0x204: {  	v7 =	vmul.f32 $5.000000000e-01, v5  }
0x205: {  	vm14 =	vlt.f32 v4, $1.562500000e-02  }
0x206: {  	v5 =	vsel vm14, v7, v5  }
0x207: {  	v7 =	vadd.f32 v5, v5  }
0x208: {  	vm15 =	vge.f32 v4, $1.024000000e+03  }
0x209: {  	v5 =	vsel vm15, v7, v5  }
0x20a: {  	v7 =	vmul.f32 $5.000000000e-01, v5  }
0x20b: {  	vm4 =	vlt.f32 v4, $3.906250000e-03  }
0x20c: {  	v5 =	vsel vm4, v7, v5  }
0x20d: {  	v7 =	vadd.f32 v5, v5  }
0x20e: {  	vm5 =	vge.f32 v4, $4.096000000e+03  }
0x20f: {  	v5 =	vsel vm5, v7, v5  }
0x210: {  	v7 =	vmul.f32 $5.000000000e-01, v5  }
0x211: {  	vm6 =	vlt.f32 v4, $9.765625000e-04  }
0x212: {  	v5 =	vsel vm6, v7, v5  }
0x213: {  	v7 =	vadd.f32 v5, v5  }
0x214: {  	vm7 =	vge.f32 v4, $1.638400000e+04  }
0x215: {  	v5 =	vsel vm7, v7, v5  }
0x216: {  	v7 =	vmul.f32 $5.000000000e-01, v5  }
0x217: {  	vm8 =	vlt.f32 v4, $2.441406250e-04  }
0x218: {  	v5 =	vsel vm8, v7, v5  }
0x219: {  	v7 =	vadd.f32 v5, v5  }
0x21a: {  	vm9 =	vge.f32 v4, $6.553600000e+04  }
0x21b: {  	v5 =	vsel vm9, v7, v5  }
0x21c: {  	v7 =	vmul.f32 $5.000000000e-01, v5  }
0x21d: {  	vm10 =	vlt.f32 v4, $6.103515630e-05  }
0x21e: {  	v5 =	vsel vm10, v7, v5  }
0x21f: {  	v7 =	vadd.f32 v5, v5  }
0x220: {  	vm11 =	vge.f32 v4, $2.621440000e+05  }
0x221: {  	v5 =	vsel vm11, v7, v5  }
0x222: {  	v7 =	vmul.f32 $5.000000000e-01, v5  }
0x223: {  	vm12 =	vlt.f32 v4, $1.525878910e-05  }
0x224: {  	v5 =	vsel vm12, v7, v5  }
0x225: {  	v7 =	vadd.f32 v5, v5  }
0x226: {  	vm13 =	vge.f32 v4, $1.048576000e+06  }
0x227: {  	v5 =	vsel vm13, v7, v5  }
0x228: {  	v7 =	vmul.f32 $5.000000000e-01, v5  }
0x229: {  	vm14 =	vlt.f32 v4, $3.814697270e-06  }
0x22a: {  	v5 =	vsel vm14, v7, v5  }
0x22b: {  	v7 =	vadd.f32 v5, v5  }
0x22c: {  	vm15 =	vge.f32 v4, $4.194304000e+06  }
0x22d: {  	v5 =	vsel vm15, v7, v5  }
0x22e: {  	v7 =	vmul.f32 $5.000000000e-01, v5  }
0x22f: {  	vm4 =	vlt.f32 v4, $9.536743160e-07  }
0x230: {  	v5 =	vsel vm4, v7, v5  }
0x231: {  	v7 =	vadd.f32 v5, v5  }
0x232: {  	vm5 =	vge.f32 v4, $1.677721600e+07  }
0x233: {  	v5 =	vsel vm5, v7, v5  }
0x234: {  	v7 =	vmul.f32 $5.000000000e-01, v5  }
0x235: {  	vm6 =	vlt.f32 v4, $2.384185790e-07  }
0x236: {  	v5 =	vsel vm6, v7, v5  }
0x237: {  	v7 =	vadd.f32 v5, v5  }
0x238: {  	vm7 =	vge.f32 v4, $6.710886400e+07  }
0x239: {  	v5 =	vsel vm7, v7, v5  }
0x23a: {  	v7 =	vmul.f32 $5.000000000e-01, v5  }
0x23b: {  	vm8 =	vlt.f32 v4, $5.960464480e-08  }
0x23c: {  	v5 =	vsel vm8, v7, v5  }
0x23d: {  	v7 =	vadd.f32 v5, v5  }
0x23e: {  	vm9 =	vge.f32 v4, $2.684354560e+08  }
0x23f: {  	v5 =	vsel vm9, v7, v5  }
0x240: {  	v7 =	vmul.f32 $5.000000000e-01, v5  }
0x241: {  	vm10 =	vlt.f32 v4, $1.490116120e-08  }
0x242: {  	v5 =	vsel vm10, v7, v5  }
0x243: {  	v7 =	vadd.f32 v5, v5  }
0x244: {  	vm11 =	vge.f32 v4, $1.073741820e+09  }
0x245: {  	v5 =	vsel vm11, v7, v5  }
0x246: {  	v7 =	vmul.f32 $5.000000000e-01, v5  }
0x247: {  	vm12 =	vlt.f32 v4, $3.725290300e-09  }
0x248: {  	v5 =	vsel vm12, v7, v5  }
0x249: {  	v7 =	vadd.f32 v5, v5  }
0x24a: {  	vm13 =	vge.f32 v4, $4.294967300e+09  }
0x24b: {  	v5 =	vsel vm13, v7, v5  }
0x24c: {  	v7 =	vmul.f32 $5.000000000e-01, v5  }
0x24d: {  	vm14 =	vlt.f32 v4, $9.313225740e-10  }
0x24e: {  	v5 =	vsel vm14, v7, v5  }
0x24f: {  	(erf) = vrcp.f32 v5;
	_ =	sdelay $0x8  }
0x250: {  	v60 =	vpop (erf)  }
0x251: {  	v7 =	vmul.f32 v60, v4;
	_ =	sdelay $0x1  }
0x252: {  	v5 =	vadd.f32 v7, v5;
	_ =	sdelay $0x1  }
0x253: {  	v5 =	vmul.f32 $5.000000000e-01, v5;
	_ =	sdelay $0x1  }
0x254: {  	(erf) = vrcp.f32 v5;
	_ =	sdelay $0x8  }
0x255: {  	v61 =	vpop (erf)  }
0x256: {  	v7 =	vmul.f32 v61, v4;
	_ =	sdelay $0x1  }
0x257: {  	v5 =	vadd.f32 v7, v5;
	_ =	sdelay $0x1  }
0x258: {  	v5 =	vmul.f32 $5.000000000e-01, v5;
	_ =	sdelay $0x1  }
0x259: {  	(erf) = vrcp.f32 v5;
	_ =	sdelay $0x8  }
0x25a: {  	v62 =	vpop (erf)  }
0x25b: {  	v7 =	vmul.f32 v62, v4;
	_ =	sdelay $0x1  }
0x25c: {  	v5 =	vadd.f32 v7, v5;
	_ =	sdelay $0x1  }
0x25d: {  	v5 =	vmul.f32 $5.000000000e-01, v5;
	_ =	sdelay $0x1  }
0x25e: {  	(erf) = vrcp.f32 v5;
	_ =	sdelay $0x8  }
0x25f: {  	v63 =	vpop (erf)  }
0x260: {  	v7 =	vmul.f32 v63, v4;
	_ =	sdelay $0x1  }
0x261: {  	v5 =	vadd.f32 v7, v5;
	_ =	sdelay $0x1  }
0x262: {  	v5 =	vmul.f32 $5.000000000e-01, v5  }
0x263: {  	vm15 =	vgt.f32 v4, $0.0e+00  }
0x264: {  	[tilespmem:s24+$0x10100] =	vst v6;
	v4 =	vnsel vm15, $0x0, v5  }
.Ltmp15:
0x265: {  	[tilespmem:s24+$0x10180] =	vst v4;
	(pc) =	sbr.rel .LBB2_25-.Ltmp15, $4  }
0x266: {  	[hbm4b:s11+s3] =	stream.linear.scatter [tilespmem:s16], [sflag:$0x3], $0x400, $0x38;
	[tilespmem:$0x10C00] =	vst v63  }
0x267: {  	_ =	swait.ge [sflag:s17], $0x400  }
0x268: {  	[sflag:s17] =	ssyncset.done $0x0  }
0x269: {  	[sflag:s17] =	ssyncadd.s32 $0xFFFFFC00  }
.LBB2_26:
0x26a: {  	_ =	sfence.sel $0x180000  }
0x26b: {  	[bflag:$0x0] =	sbarrier.arrive $0xFFFF  }
0x26c: {  	p0 =	sne.s32 s2, $0x0;
	_ =	strace $0x90000047  }
0x26d: {  	s0 =	sadd.s32 @!p0 $0x100000, s0;
	[bflag:$0x2] =	sbarrier.arrive $0xFFFF  }
0x26e: {  	[sflag:s0] =	ssyncadd.tile.s32 @!p0 $0x1;
	_ =	shalt  }
.Lfunc_end2:
_tile_overlayer_lowered:
.L_overlay_start_2:
0x26f: {  	(tag) =	ssettag $0x2  }
0x270: {  	s0 =	rddreg [dreg:$0x0];
	s2 =	stileid.u32  }
0x271: {  	s1 =	rddreg [dreg:$0x1];
	p0 =	sne.s32 s2, $0x0  }
0x272: {  	s3 =	rddreg [dreg:$0x2];
	[bflag:$0x3] =	sbarrier.arrive $0xFFFF;
	s2 =	simm.s32 @!p0 $0x1C03  }
0x273: {  	[timem:s3], [sflag:s2] =	dma.local @!p0 [hbm:s0], s1  }
0x274: {  	s0 =	simm.s32 @!p0 $0x3  }
0x275: {  	_ =	swait.ge @!p0 [sflag:s0], s1  }
0x276: {  	s1 =	ssub.s32 @!p0 $0x0, s1;
	[sflag:s0] =	ssyncset.done @!p0 $0x0  }
0x277: {  	[sflag:s0] =	ssyncadd.s32 @!p0 s1  }
0x278: {  	[bflag:$0x3] =	sbarrier.arrive $0xFFFF  }
0x279: {  	_ =	shalt  }

</sc_bundles>
